<compile_context>
chip_gen: v7x
topology: tpu7x:2x2x1
jax: 0.10.2.dev20260603
libtpu: 0.0.44.dev20260713+nightly
codegen_flags: <defaults>
</compile_context>

<pallas_src>
import functools

import jax
import jax.numpy as jnp
from jax import lax
from jax.experimental import pallas as pl
from jax.experimental.pallas import tpu as pltpu
from jax.experimental.pallas import tpu_sc as plsc

_B, _T, _D = 16384, 200, 4
_NW = 32
_BT = _B // 128
_BT_W = _BT // _NW
_TSEG = 50
_NSEG = _T // _TSEG
_NCHUNK = _BT_W * _NSEG


def _sc_embed(idx, table):
    mesh = plsc.VectorSubcoreMesh(core_axis_name="c", subcore_axis_name="s")

    @functools.partial(
        pl.kernel,
        mesh=mesh,
        out_type=jax.ShapeDtypeStruct((_T, _BT, _D, 128), jnp.float32),
        compiler_params=pltpu.CompilerParams(
            needs_layout_passes=False,
            use_tc_tiling_on_sc=False,
        ),
        scratch_types=[
            pltpu.VMEM((8, 4), jnp.float32),
            pltpu.VMEM((128, _T), jnp.int32),
            pltpu.VMEM((2 * _TSEG, 1, _D, 128), jnp.float32),
            pltpu.SemaphoreType.DMA,
            pltpu.SemaphoreType.DMA,
        ],
    )
    def k(idx_hbm, tab_hbm, out_hbm, tab_v, idx_v, out_v, sem0, sem1):
        wid = lax.axis_index("s") * 2 + lax.axis_index("c")
        pltpu.sync_copy(tab_hbm, tab_v)
        lane = lax.iota(jnp.int32, 16)

        def out_slices(c):
            bt = wid * _BT_W + lax.shift_right_logical(c, 2)
            t0 = lax.bitwise_and(c, 3) * _TSEG
            src = out_v.at[pl.ds(lax.bitwise_and(c, 1) * _TSEG, _TSEG)]
            dst = out_hbm.at[pl.ds(t0, _TSEG), pl.ds(bt, 1), :, :]
            return src, dst

        def chunk_body(c, _):
            bt = wid * _BT_W + lax.shift_right_logical(c, 2)
            seg = lax.bitwise_and(c, 3)
            par = lax.bitwise_and(c, 1)
            t0 = seg * _TSEG
            v0 = par * _TSEG

            @pl.when(seg == 0)
            def _():
                pltpu.sync_copy(idx_hbm.at[pl.ds(bt * 128, 128), :], idx_v)

            @pl.when(jnp.logical_and(c >= 2, par == 0))
            def _():
                src, dst = out_slices(c - 2)
                pltpu.make_async_copy(src, dst, sem0).wait()

            @pl.when(jnp.logical_and(c >= 2, par == 1))
            def _():
                src, dst = out_slices(c - 2)
                pltpu.make_async_copy(src, dst, sem1).wait()

            @plsc.parallel_loop(0, _TSEG, unroll=2)
            def t_body(tt):
                tcol = jnp.broadcast_to(t0 + tt, (16,))
                for g in range(8):
                    rows = jnp.broadcast_to(g * 16, (16,)) + lane
                    idxg = plsc.load_gather(idx_v, [rows, tcol])
                    for kk in range(4):
                        vals = plsc.load_gather(
                            tab_v, [idxg, jnp.broadcast_to(kk, (16,))]
                        )
                        out_v[v0 + tt, 0, kk, pl.ds(g * 16, 16)] = vals

            src, dst = out_slices(c)

            @pl.when(par == 0)
            def _():
                pltpu.async_copy(src, dst, sem0)

            @pl.when(par == 1)
            def _():
                pltpu.async_copy(src, dst, sem1)

            return 0

        lax.fori_loop(0, _NCHUNK, chunk_body, 0)

        src, dst = out_slices(_NCHUNK - 2)
        pltpu.make_async_copy(src, dst, sem0).wait()
        src, dst = out_slices(_NCHUNK - 1)
        pltpu.make_async_copy(src, dst, sem1).wait()

    return k(idx, table)


def kernel(enc_input_ids, dec_input_ids, dec_embed):
    del enc_input_ids
    out_phys = _sc_embed(dec_input_ids, dec_embed)
    return out_phys.transpose(1, 3, 0, 2).reshape(_B, _T, _D)

# --- scband reference (transcript-rebuilt; emitter-appended) ---
"""Pipeline reference for scband-legacy-seq2-seq-83176336654675 (READ-ONLY COPY).

The authoritative reference and input builder live on the scoring server;
editing this copy changes nothing except your own understanding.
"""

import jax, jax.numpy as jnp
import numpy as np


def setup_inputs(seed: int = 0) -> dict:
    key = jax.random.key(seed)
    k1, k2, k3 = jax.random.split(key, 3)
    enc_input_ids = jax.random.randint(k1, (16384, 200), 0, 8, dtype=jnp.int64 if jax.config.jax_enable_x64 else jnp.int32)
    dec_input_ids = jax.random.randint(k2, (16384, 200), 0, 8, dtype=jnp.int64 if jax.config.jax_enable_x64 else jnp.int32)
    # learned parameter: decoder embedding table, per nn.Embedding(8, 4)
    dec_embed = jax.random.normal(k3, (8, 4), dtype=jnp.float32)
    return {"enc_input_ids": enc_input_ids, "dec_input_ids": dec_input_ids, "dec_embed": dec_embed}


def reference(enc_input_ids, dec_input_ids, dec_embed):
    # Faithful translation: forward returns dec_embed(dec_input_ids).
    # enc_input_ids is accepted but unused, matching the torch module.
    return jnp.take(dec_embed, dec_input_ids, axis=0)

if __name__ == "__main__":
    import jax
    _d = setup_inputs()
    print(jax.jit(kernel)(*tuple(_d.values())))

</pallas_src>

<mosaic_0001>
#map = affine_map<(d0, d1) -> (0, 0)>
#map1 = affine_map<(d0, d1) -> (0, 0, 0, 0)>
module attributes {stable_mosaic.version = 14 : i64} {
  func.func @k(%arg0: i32, %arg1: i32, %arg2: memref<16384x200xi32, #tpu.memory_space<hbm>>, %arg3: memref<8x4xf32, #tpu.memory_space<hbm>>, %arg4: memref<200x128x4x128xf32, #tpu.memory_space<hbm>>, %arg5: memref<8x4xf32, #tpu.memory_space<vmem>>, %arg6: memref<128x200xi32, #tpu.memory_space<vmem>>, %arg7: memref<100x1x4x128xf32, #tpu.memory_space<vmem>>, %arg8: memref<!tpu.dma_semaphore, #tpu.memory_space<semaphore_mem>>, %arg9: memref<!tpu.dma_semaphore, #tpu.memory_space<semaphore_mem>>) attributes {dimension_semantics = [#tpu.dimension_semantics<core_parallel>, #tpu.dimension_semantics<subcore_parallel>], iteration_bounds = array<i64: 2, 16>, scalar_prefetch = 0 : i64, scratch_operands = 5 : i64, tpu.core_type = #tpu.core_type<sc_vector_subcore>, window_params = [{transform_indices = #map}, {transform_indices = #map}, {transform_indices = #map1}]} {
    %mul3A = arith.constant 2 : i32
    %mul3A_0 = arith.muli %arg1, %mul3A : i32
    %add3A = arith.addi %mul3A_0, %arg0 : i32
    "tpu.region"() ({
      %run_scoped3A = tpu.sem_alloc : memref<!tpu.dma_semaphore, #tpu.memory_space<semaphore_mem>>
      tpu.enqueue_dma source(%arg3 : memref<8x4xf32, #tpu.memory_space<hbm>>) target(%arg5 : memref<8x4xf32, #tpu.memory_space<vmem>>) target_semaphore(%run_scoped3A : memref<!tpu.dma_semaphore, #tpu.memory_space<semaphore_mem>>)
      tpu.wait_dma2 semaphore(%run_scoped3A : memref<!tpu.dma_semaphore, #tpu.memory_space<semaphore_mem>>) src(%arg3 : memref<8x4xf32, #tpu.memory_space<hbm>>) dst(%arg5 : memref<8x4xf32, #tpu.memory_space<vmem>>)
      tpu.yield
    }) : () -> ()
    %iota3A = tpu.iota {dimensions = array<i32: 0>} : vector<16xi32>
    %scan3A = arith.constant 0 : i32
    %scan3A_1 = arith.constant 0 : i32
    %scan3A_2 = arith.constant 16 : i32
    %scan3A_3 = arith.addi %scan3A_1, %scan3A_2 : i32
    %scan3A_4 = arith.constant 1 : i32
    %scan3A_5 = scf.for %scan3A_64 = %scan3A_1 to %scan3A_3 step %scan3A_4 iter_args(%scan3A_65 = %scan3A) -> (i32)  : i32 {
      %mul3A_66 = arith.constant 4 : i32
      %mul3A_67 = arith.muli %add3A, %mul3A_66 : i32
      %shift_right_logical3A_68 = arith.constant 2 : i32
      %shift_right_logical3A_69 = arith.shrui %scan3A_64, %shift_right_logical3A_68 : i32
      %add3A_70 = arith.addi %mul3A_67, %shift_right_logical3A_69 : i32
      %and3A_71 = arith.constant 3 : i32
      %and3A_72 = arith.andi %scan3A_64, %and3A_71 : i32
      %and3A_73 = arith.constant 1 : i32
      %and3A_74 = arith.andi %scan3A_64, %and3A_73 : i32
      %mul3A_75 = arith.constant 50 : i32
      %mul3A_76 = arith.muli %and3A_72, %mul3A_75 : i32
      %mul3A_77 = arith.constant 50 : i32
      %mul3A_78 = arith.muli %and3A_74, %mul3A_77 : i32
      %eq3A = arith.constant 0 : i32
      %eq3A_79 = arith.cmpi eq, %and3A_72, %eq3A : i32
      %convert_element_type3A = arith.extui %eq3A_79 : i1 to i32
      %cond3A = arith.constant 0 : i32
      %cond3A_80 = arith.cmpi ne, %convert_element_type3A, %cond3A : i32
      scf.if %cond3A_80 {
        %mul3A_122 = arith.constant 128 : i32
        %mul3A_123 = arith.muli %add3A_70, %mul3A_122 : i32
        "tpu.region"() ({
          %run_scoped3A = tpu.sem_alloc : memref<!tpu.dma_semaphore, #tpu.memory_space<semaphore_mem>>
          %dma_start3A = arith.constant 0 : i32
          %dma_start3A_124 = tpu.memref_slice %arg2[%mul3A_123, %dma_start3A] : memref<16384x200xi32, #tpu.memory_space<hbm>> -> memref<128x200xi32, #tpu.memory_space<hbm>>
          %dma_start3A_125 = arith.constant 0 : i32
          %dma_start3A_126 = tpu.memref_slice %arg2[%mul3A_123, %dma_start3A_125] : memref<16384x200xi32, #tpu.memory_space<hbm>> -> memref<128x200xi32, #tpu.memory_space<hbm>>
          tpu.enqueue_dma source(%dma_start3A_126 : memref<128x200xi32, #tpu.memory_space<hbm>>) target(%arg6 : memref<128x200xi32, #tpu.memory_space<vmem>>) target_semaphore(%run_scoped3A : memref<!tpu.dma_semaphore, #tpu.memory_space<semaphore_mem>>)
          %dma_wait3A_127 = arith.constant 0 : i32
          %dma_wait3A_128 = tpu.memref_slice %arg2[%mul3A_123, %dma_wait3A_127] : memref<16384x200xi32, #tpu.memory_space<hbm>> -> memref<128x200xi32, #tpu.memory_space<hbm>>
          %dma_wait3A_129 = arith.constant 0 : i32
          %dma_wait3A_130 = tpu.memref_slice %arg2[%mul3A_123, %dma_wait3A_129] : memref<16384x200xi32, #tpu.memory_space<hbm>> -> memref<128x200xi32, #tpu.memory_space<hbm>>
          tpu.wait_dma2 semaphore(%run_scoped3A : memref<!tpu.dma_semaphore, #tpu.memory_space<semaphore_mem>>) src(%dma_wait3A_130 : memref<128x200xi32, #tpu.memory_space<hbm>>) dst(%arg6 : memref<128x200xi32, #tpu.memory_space<vmem>>)
          tpu.yield
        }) : () -> ()
      } else {
      }
      %ge3A = arith.constant 2 : i32
      %ge3A_81 = arith.cmpi sge, %scan3A_64, %ge3A : i32
      %eq3A_82 = arith.constant 0 : i32
      %eq3A_83 = arith.cmpi eq, %and3A_74, %eq3A_82 : i32
      %and3A_84 = arith.andi %ge3A_81, %eq3A_83 : i1
      %convert_element_type3A_85 = arith.extui %and3A_84 : i1 to i32
      %cond3A_86 = arith.constant 0 : i32
      %cond3A_87 = arith.cmpi ne, %convert_element_type3A_85, %cond3A_86 : i32
      scf.if %cond3A_87 {
        %sub3A = arith.constant 2 : i32
        %sub3A_122 = arith.subi %scan3A_64, %sub3A : i32
        %mul3A_123 = arith.constant 4 : i32
        %mul3A_124 = arith.muli %add3A, %mul3A_123 : i32
        %shift_right_logical3A_125 = arith.constant 2 : i32
        %shift_right_logical3A_126 = arith.shrui %sub3A_122, %shift_right_logical3A_125 : i32
        %add3A_127 = arith.addi %mul3A_124, %shift_right_logical3A_126 : i32
        %and3A_128 = arith.constant 3 : i32
        %and3A_129 = arith.andi %sub3A_122, %and3A_128 : i32
        %mul3A_130 = arith.constant 50 : i32
        %mul3A_131 = arith.muli %and3A_129, %mul3A_130 : i32
        %and3A_132 = arith.constant 1 : i32
        %and3A_133 = arith.andi %sub3A_122, %and3A_132 : i32
        %mul3A_134 = arith.constant 50 : i32
        %mul3A_135 = arith.muli %and3A_133, %mul3A_134 : i32
        %dma_wait3A_136 = arith.constant 0 : i32
        %dma_wait3A_137 = arith.constant 0 : i32
        %dma_wait3A_138 = arith.constant 0 : i32
        %dma_wait3A_139 = tpu.memref_slice %arg7[%mul3A_135, %dma_wait3A_136, %dma_wait3A_137, %dma_wait3A_138] : memref<100x1x4x128xf32, #tpu.memory_space<vmem>> -> memref<50x1x4x128xf32, #tpu.memory_space<vmem>>
        %dma_wait3A_140 = arith.constant 0 : i32
        %dma_wait3A_141 = arith.constant 0 : i32
        %dma_wait3A_142 = tpu.memref_slice %arg4[%mul3A_131, %add3A_127, %dma_wait3A_140, %dma_wait3A_141] : memref<200x128x4x128xf32, #tpu.memory_space<hbm>> -> memref<50x1x4x128xf32, #tpu.memory_space<hbm>>
        %dma_wait3A_143 = arith.constant 0 : i32
        %dma_wait3A_144 = arith.constant 0 : i32
        %dma_wait3A_145 = tpu.memref_slice %arg4[%mul3A_131, %add3A_127, %dma_wait3A_143, %dma_wait3A_144] : memref<200x128x4x128xf32, #tpu.memory_space<hbm>> -> memref<50x1x4x128xf32, #tpu.memory_space<hbm>>
        %dma_wait3A_146 = arith.constant 0 : i32
        %dma_wait3A_147 = arith.constant 0 : i32
        %dma_wait3A_148 = arith.constant 0 : i32
        %dma_wait3A_149 = tpu.memref_slice %arg7[%mul3A_135, %dma_wait3A_146, %dma_wait3A_147, %dma_wait3A_148] : memref<100x1x4x128xf32, #tpu.memory_space<vmem>> -> memref<50x1x4x128xf32, #tpu.memory_space<vmem>>
        tpu.wait_dma2 semaphore(%arg8 : memref<!tpu.dma_semaphore, #tpu.memory_space<semaphore_mem>>) src(%dma_wait3A_149 : memref<50x1x4x128xf32, #tpu.memory_space<vmem>>) dst(%dma_wait3A_145 : memref<50x1x4x128xf32, #tpu.memory_space<hbm>>)
      } else {
      }
      %ge3A_88 = arith.constant 2 : i32
      %ge3A_89 = arith.cmpi sge, %scan3A_64, %ge3A_88 : i32
      %eq3A_90 = arith.constant 1 : i32
      %eq3A_91 = arith.cmpi eq, %and3A_74, %eq3A_90 : i32
      %and3A_92 = arith.andi %ge3A_89, %eq3A_91 : i1
      %convert_element_type3A_93 = arith.extui %and3A_92 : i1 to i32
      %cond3A_94 = arith.constant 0 : i32
      %cond3A_95 = arith.cmpi ne, %convert_element_type3A_93, %cond3A_94 : i32
      scf.if %cond3A_95 {
        %sub3A = arith.constant 2 : i32
        %sub3A_122 = arith.subi %scan3A_64, %sub3A : i32
        %mul3A_123 = arith.constant 4 : i32
        %mul3A_124 = arith.muli %add3A, %mul3A_123 : i32
        %shift_right_logical3A_125 = arith.constant 2 : i32
        %shift_right_logical3A_126 = arith.shrui %sub3A_122, %shift_right_logical3A_125 : i32
        %add3A_127 = arith.addi %mul3A_124, %shift_right_logical3A_126 : i32
        %and3A_128 = arith.constant 3 : i32
        %and3A_129 = arith.andi %sub3A_122, %and3A_128 : i32
        %mul3A_130 = arith.constant 50 : i32
        %mul3A_131 = arith.muli %and3A_129, %mul3A_130 : i32
        %and3A_132 = arith.constant 1 : i32
        %and3A_133 = arith.andi %sub3A_122, %and3A_132 : i32
        %mul3A_134 = arith.constant 50 : i32
        %mul3A_135 = arith.muli %and3A_133, %mul3A_134 : i32
        %dma_wait3A_136 = arith.constant 0 : i32
        %dma_wait3A_137 = arith.constant 0 : i32
        %dma_wait3A_138 = arith.constant 0 : i32
        %dma_wait3A_139 = tpu.memref_slice %arg7[%mul3A_135, %dma_wait3A_136, %dma_wait3A_137, %dma_wait3A_138] : memref<100x1x4x128xf32, #tpu.memory_space<vmem>> -> memref<50x1x4x128xf32, #tpu.memory_space<vmem>>
        %dma_wait3A_140 = arith.constant 0 : i32
        %dma_wait3A_141 = arith.constant 0 : i32
        %dma_wait3A_142 = tpu.memref_slice %arg4[%mul3A_131, %add3A_127, %dma_wait3A_140, %dma_wait3A_141] : memref<200x128x4x128xf32, #tpu.memory_space<hbm>> -> memref<50x1x4x128xf32, #tpu.memory_space<hbm>>
        %dma_wait3A_143 = arith.constant 0 : i32
        %dma_wait3A_144 = arith.constant 0 : i32
        %dma_wait3A_145 = tpu.memref_slice %arg4[%mul3A_131, %add3A_127, %dma_wait3A_143, %dma_wait3A_144] : memref<200x128x4x128xf32, #tpu.memory_space<hbm>> -> memref<50x1x4x128xf32, #tpu.memory_space<hbm>>
        %dma_wait3A_146 = arith.constant 0 : i32
        %dma_wait3A_147 = arith.constant 0 : i32
        %dma_wait3A_148 = arith.constant 0 : i32
        %dma_wait3A_149 = tpu.memref_slice %arg7[%mul3A_135, %dma_wait3A_146, %dma_wait3A_147, %dma_wait3A_148] : memref<100x1x4x128xf32, #tpu.memory_space<vmem>> -> memref<50x1x4x128xf32, #tpu.memory_space<vmem>>
        tpu.wait_dma2 semaphore(%arg9 : memref<!tpu.dma_semaphore, #tpu.memory_space<semaphore_mem>>) src(%dma_wait3A_149 : memref<50x1x4x128xf32, #tpu.memory_space<vmem>>) dst(%dma_wait3A_145 : memref<50x1x4x128xf32, #tpu.memory_space<hbm>>)
      } else {
      }
      %parallel_loop3A = arith.constant 0 : i32
      %parallel_loop3A_96 = arith.constant 50 : i32
      %parallel_loop3A_97 = arith.constant 1 : i32
      scf.for %parallel_loop3A_122 = %parallel_loop3A to %parallel_loop3A_96 step %parallel_loop3A_97  : i32 {
        %parallel_loop3A_123 = arith.addi %mul3A_76, %parallel_loop3A_122 : i32
        %parallel_loop3A_124 = vector.broadcast %parallel_loop3A_123 : i32 to vector<16xi32>
        %parallel_loop3A_125 = arith.constant 0 : i32
        %parallel_loop3A_126 = vector.broadcast %parallel_loop3A_125 : i32 to vector<16xi32>
        %parallel_loop3A_127 = arith.addi %parallel_loop3A_126, %iota3A : vector<16xi32>
        %parallel_loop3A_128 = tpu.vector_load_idx %arg6[%parallel_loop3A_127, %parallel_loop3A_124] : memref<128x200xi32, #tpu.memory_space<vmem>>[vector<16xi32>, vector<16xi32>], vector<16xi32>,
        %parallel_loop3A_129 = arith.constant 0 : i32
        %parallel_loop3A_130 = vector.broadcast %parallel_loop3A_129 : i32 to vector<16xi32>
        %parallel_loop3A_131 = tpu.vector_load_idx %arg5[%parallel_loop3A_128, %parallel_loop3A_130] : memref<8x4xf32, #tpu.memory_space<vmem>>[vector<16xi32>, vector<16xi32>], vector<16xf32>,
        %parallel_loop3A_132 = arith.addi %mul3A_78, %parallel_loop3A_122 : i32
        %parallel_loop3A_133 = arith.constant 0 : i32
        %parallel_loop3A_134 = arith.constant 0 : i32
        %parallel_loop3A_135 = arith.index_cast %parallel_loop3A_132 : i32 to index
        %parallel_loop3A_136 = arith.index_cast %parallel_loop3A_133 : i32 to index
        %parallel_loop3A_137 = arith.index_cast %parallel_loop3A_134 : i32 to index
        %parallel_loop3A_138 = arith.constant 0 : index
        %parallel_loop3A_139 = tpu.vector_load %arg7[%parallel_loop3A_135, %parallel_loop3A_136, %parallel_loop3A_137, %parallel_loop3A_138] {strides = array<i32>} : memref<100x1x4x128xf32, #tpu.memory_space<vmem>>, vector<16xf32>,
        tpu.vector_store %arg7[%parallel_loop3A_135, %parallel_loop3A_136, %parallel_loop3A_137, %parallel_loop3A_138], %parallel_loop3A_131 {strides = array<i32>} : memref<100x1x4x128xf32, #tpu.memory_space<vmem>>, vector<16xf32>,
        %parallel_loop3A_140 = arith.constant 1 : i32
        %parallel_loop3A_141 = vector.broadcast %parallel_loop3A_140 : i32 to vector<16xi32>
        %parallel_loop3A_142 = tpu.vector_load_idx %arg5[%parallel_loop3A_128, %parallel_loop3A_141] : memref<8x4xf32, #tpu.memory_space<vmem>>[vector<16xi32>, vector<16xi32>], vector<16xf32>,
        %parallel_loop3A_143 = arith.addi %mul3A_78, %parallel_loop3A_122 : i32
        %parallel_loop3A_144 = arith.constant 0 : i32
        %parallel_loop3A_145 = arith.constant 1 : i32
        %parallel_loop3A_146 = arith.index_cast %parallel_loop3A_143 : i32 to index
        %parallel_loop3A_147 = arith.index_cast %parallel_loop3A_144 : i32 to index
        %parallel_loop3A_148 = arith.index_cast %parallel_loop3A_145 : i32 to index
        %parallel_loop3A_149 = arith.constant 0 : index
        %parallel_loop3A_150 = tpu.vector_load %arg7[%parallel_loop3A_146, %parallel_loop3A_147, %parallel_loop3A_148, %parallel_loop3A_149] {strides = array<i32>} : memref<100x1x4x128xf32, #tpu.memory_space<vmem>>, vector<16xf32>,
        tpu.vector_store %arg7[%parallel_loop3A_146, %parallel_loop3A_147, %parallel_loop3A_148, %parallel_loop3A_149], %parallel_loop3A_142 {strides = array<i32>} : memref<100x1x4x128xf32, #tpu.memory_space<vmem>>, vector<16xf32>,
        %parallel_loop3A_151 = arith.constant 2 : i32
        %parallel_loop3A_152 = vector.broadcast %parallel_loop3A_151 : i32 to vector<16xi32>
        %parallel_loop3A_153 = tpu.vector_load_idx %arg5[%parallel_loop3A_128, %parallel_loop3A_152] : memref<8x4xf32, #tpu.memory_space<vmem>>[vector<16xi32>, vector<16xi32>], vector<16xf32>,
        %parallel_loop3A_154 = arith.addi %mul3A_78, %parallel_loop3A_122 : i32
        %parallel_loop3A_155 = arith.constant 0 : i32
        %parallel_loop3A_156 = arith.constant 2 : i32
        %parallel_loop3A_157 = arith.index_cast %parallel_loop3A_154 : i32 to index
        %parallel_loop3A_158 = arith.index_cast %parallel_loop3A_155 : i32 to index
        %parallel_loop3A_159 = arith.index_cast %parallel_loop3A_156 : i32 to index
        %parallel_loop3A_160 = arith.constant 0 : index
        %parallel_loop3A_161 = tpu.vector_load %arg7[%parallel_loop3A_157, %parallel_loop3A_158, %parallel_loop3A_159, %parallel_loop3A_160] {strides = array<i32>} : memref<100x1x4x128xf32, #tpu.memory_space<vmem>>, vector<16xf32>,
        tpu.vector_store %arg7[%parallel_loop3A_157, %parallel_loop3A_158, %parallel_loop3A_159, %parallel_loop3A_160], %parallel_loop3A_153 {strides = array<i32>} : memref<100x1x4x128xf32, #tpu.memory_space<vmem>>, vector<16xf32>,
        %parallel_loop3A_162 = arith.constant 3 : i32
        %parallel_loop3A_163 = vector.broadcast %parallel_loop3A_162 : i32 to vector<16xi32>
        %parallel_loop3A_164 = tpu.vector_load_idx %arg5[%parallel_loop3A_128, %parallel_loop3A_163] : memref<8x4xf32, #tpu.memory_space<vmem>>[vector<16xi32>, vector<16xi32>], vector<16xf32>,
        %parallel_loop3A_165 = arith.addi %mul3A_78, %parallel_loop3A_122 : i32
        %parallel_loop3A_166 = arith.constant 0 : i32
        %parallel_loop3A_167 = arith.constant 3 : i32
        %parallel_loop3A_168 = arith.index_cast %parallel_loop3A_165 : i32 to index
        %parallel_loop3A_169 = arith.index_cast %parallel_loop3A_166 : i32 to index
        %parallel_loop3A_170 = arith.index_cast %parallel_loop3A_167 : i32 to index
        %parallel_loop3A_171 = arith.constant 0 : index
        %parallel_loop3A_172 = tpu.vector_load %arg7[%parallel_loop3A_168, %parallel_loop3A_169, %parallel_loop3A_170, %parallel_loop3A_171] {strides = array<i32>} : memref<100x1x4x128xf32, #tpu.memory_space<vmem>>, vector<16xf32>,
        tpu.vector_store %arg7[%parallel_loop3A_168, %parallel_loop3A_169, %parallel_loop3A_170, %parallel_loop3A_171], %parallel_loop3A_164 {strides = array<i32>} : memref<100x1x4x128xf32, #tpu.memory_space<vmem>>, vector<16xf32>,
        %parallel_loop3A_173 = arith.constant 16 : i32
        %parallel_loop3A_174 = vector.broadcast %parallel_loop3A_173 : i32 to vector<16xi32>
        %parallel_loop3A_175 = arith.addi %parallel_loop3A_174, %iota3A : vector<16xi32>
        %parallel_loop3A_176 = tpu.vector_load_idx %arg6[%parallel_loop3A_175, %parallel_loop3A_124] : memref<128x200xi32, #tpu.memory_space<vmem>>[vector<16xi32>, vector<16xi32>], vector<16xi32>,
        %parallel_loop3A_177 = arith.constant 0 : i32
        %parallel_loop3A_178 = vector.broadcast %parallel_loop3A_177 : i32 to vector<16xi32>
        %parallel_loop3A_179 = tpu.vector_load_idx %arg5[%parallel_loop3A_176, %parallel_loop3A_178] : memref<8x4xf32, #tpu.memory_space<vmem>>[vector<16xi32>, vector<16xi32>], vector<16xf32>,
        %parallel_loop3A_180 = arith.addi %mul3A_78, %parallel_loop3A_122 : i32
        %parallel_loop3A_181 = arith.constant 0 : i32
        %parallel_loop3A_182 = arith.constant 0 : i32
        %parallel_loop3A_183 = arith.index_cast %parallel_loop3A_180 : i32 to index
        %parallel_loop3A_184 = arith.index_cast %parallel_loop3A_181 : i32 to index
        %parallel_loop3A_185 = arith.index_cast %parallel_loop3A_182 : i32 to index
        %parallel_loop3A_186 = arith.constant 16 : index
        %parallel_loop3A_187 = tpu.vector_load %arg7[%parallel_loop3A_183, %parallel_loop3A_184, %parallel_loop3A_185, %parallel_loop3A_186] {strides = array<i32>} : memref<100x1x4x128xf32, #tpu.memory_space<vmem>>, vector<16xf32>,
        tpu.vector_store %arg7[%parallel_loop3A_183, %parallel_loop3A_184, %parallel_loop3A_185, %parallel_loop3A_186], %parallel_loop3A_179 {strides = array<i32>} : memref<100x1x4x128xf32, #tpu.memory_space<vmem>>, vector<16xf32>,
        %parallel_loop3A_188 = arith.constant 1 : i32
        %parallel_loop3A_189 = vector.broadcast %parallel_loop3A_188 : i32 to vector<16xi32>
        %parallel_loop3A_190 = tpu.vector_load_idx %arg5[%parallel_loop3A_176, %parallel_loop3A_189] : memref<8x4xf32, #tpu.memory_space<vmem>>[vector<16xi32>, vector<16xi32>], vector<16xf32>,
        %parallel_loop3A_191 = arith.addi %mul3A_78, %parallel_loop3A_122 : i32
        %parallel_loop3A_192 = arith.constant 0 : i32
        %parallel_loop3A_193 = arith.constant 1 : i32
        %parallel_loop3A_194 = arith.index_cast %parallel_loop3A_191 : i32 to index
        %parallel_loop3A_195 = arith.index_cast %parallel_loop3A_192 : i32 to index
        %parallel_loop3A_196 = arith.index_cast %parallel_loop3A_193 : i32 to index
        %parallel_loop3A_197 = arith.constant 16 : index
        %parallel_loop3A_198 = tpu.vector_load %arg7[%parallel_loop3A_194, %parallel_loop3A_195, %parallel_loop3A_196, %parallel_loop3A_197] {strides = array<i32>} : memref<100x1x4x128xf32, #tpu.memory_space<vmem>>, vector<16xf32>,
        tpu.vector_store %arg7[%parallel_loop3A_194, %parallel_loop3A_195, %parallel_loop3A_196, %parallel_loop3A_197], %parallel_loop3A_190 {strides = array<i32>} : memref<100x1x4x128xf32, #tpu.memory_space<vmem>>, vector<16xf32>,
        %parallel_loop3A_199 = arith.constant 2 : i32
        %parallel_loop3A_200 = vector.broadcast %parallel_loop3A_199 : i32 to vector<16xi32>
        %parallel_loop3A_201 = tpu.vector_load_idx %arg5[%parallel_loop3A_176, %parallel_loop3A_200] : memref<8x4xf32, #tpu.memory_space<vmem>>[vector<16xi32>, vector<16xi32>], vector<16xf32>,
        %parallel_loop3A_202 = arith.addi %mul3A_78, %parallel_loop3A_122 : i32
        %parallel_loop3A_203 = arith.constant 0 : i32
        %parallel_loop3A_204 = arith.constant 2 : i32
        %parallel_loop3A_205 = arith.index_cast %parallel_loop3A_202 : i32 to index
        %parallel_loop3A_206 = arith.index_cast %parallel_loop3A_203 : i32 to index
        %parallel_loop3A_207 = arith.index_cast %parallel_loop3A_204 : i32 to index
        %parallel_loop3A_208 = arith.constant 16 : index
        %parallel_loop3A_209 = tpu.vector_load %arg7[%parallel_loop3A_205, %parallel_loop3A_206, %parallel_loop3A_207, %parallel_loop3A_208] {strides = array<i32>} : memref<100x1x4x128xf32, #tpu.memory_space<vmem>>, vector<16xf32>,
        tpu.vector_store %arg7[%parallel_loop3A_205, %parallel_loop3A_206, %parallel_loop3A_207, %parallel_loop3A_208], %parallel_loop3A_201 {strides = array<i32>} : memref<100x1x4x128xf32, #tpu.memory_space<vmem>>, vector<16xf32>,
        %parallel_loop3A_210 = arith.constant 3 : i32
        %parallel_loop3A_211 = vector.broadcast %parallel_loop3A_210 : i32 to vector<16xi32>
        %parallel_loop3A_212 = tpu.vector_load_idx %arg5[%parallel_loop3A_176, %parallel_loop3A_211] : memref<8x4xf32, #tpu.memory_space<vmem>>[vector<16xi32>, vector<16xi32>], vector<16xf32>,
        %parallel_loop3A_213 = arith.addi %mul3A_78, %parallel_loop3A_122 : i32
        %parallel_loop3A_214 = arith.constant 0 : i32
        %parallel_loop3A_215 = arith.constant 3 : i32
        %parallel_loop3A_216 = arith.index_cast %parallel_loop3A_213 : i32 to index
        %parallel_loop3A_217 = arith.index_cast %parallel_loop3A_214 : i32 to index
        %parallel_loop3A_218 = arith.index_cast %parallel_loop3A_215 : i32 to index
        %parallel_loop3A_219 = arith.constant 16 : index
        %parallel_loop3A_220 = tpu.vector_load %arg7[%parallel_loop3A_216, %parallel_loop3A_217, %parallel_loop3A_218, %parallel_loop3A_219] {strides = array<i32>} : memref<100x1x4x128xf32, #tpu.memory_space<vmem>>, vector<16xf32>,
        tpu.vector_store %arg7[%parallel_loop3A_216, %parallel_loop3A_217, %parallel_loop3A_218, %parallel_loop3A_219], %parallel_loop3A_212 {strides = array<i32>} : memref<100x1x4x128xf32, #tpu.memory_space<vmem>>, vector<16xf32>,
        %parallel_loop3A_221 = arith.constant 32 : i32
        %parallel_loop3A_222 = vector.broadcast %parallel_loop3A_221 : i32 to vector<16xi32>
        %parallel_loop3A_223 = arith.addi %parallel_loop3A_222, %iota3A : vector<16xi32>
        %parallel_loop3A_224 = tpu.vector_load_idx %arg6[%parallel_loop3A_223, %parallel_loop3A_124] : memref<128x200xi32, #tpu.memory_space<vmem>>[vector<16xi32>, vector<16xi32>], vector<16xi32>,
        %parallel_loop3A_225 = arith.constant 0 : i32
        %parallel_loop3A_226 = vector.broadcast %parallel_loop3A_225 : i32 to vector<16xi32>
        %parallel_loop3A_227 = tpu.vector_load_idx %arg5[%parallel_loop3A_224, %parallel_loop3A_226] : memref<8x4xf32, #tpu.memory_space<vmem>>[vector<16xi32>, vector<16xi32>], vector<16xf32>,
        %parallel_loop3A_228 = arith.addi %mul3A_78, %parallel_loop3A_122 : i32
        %parallel_loop3A_229 = arith.constant 0 : i32
        %parallel_loop3A_230 = arith.constant 0 : i32
        %parallel_loop3A_231 = arith.index_cast %parallel_loop3A_228 : i32 to index
        %parallel_loop3A_232 = arith.index_cast %parallel_loop3A_229 : i32 to index
        %parallel_loop3A_233 = arith.index_cast %parallel_loop3A_230 : i32 to index
        %parallel_loop3A_234 = arith.constant 32 : index
        %parallel_loop3A_235 = tpu.vector_load %arg7[%parallel_loop3A_231, %parallel_loop3A_232, %parallel_loop3A_233, %parallel_loop3A_234] {strides = array<i32>} : memref<100x1x4x128xf32, #tpu.memory_space<vmem>>, vector<16xf32>,
        tpu.vector_store %arg7[%parallel_loop3A_231, %parallel_loop3A_232, %parallel_loop3A_233, %parallel_loop3A_234], %parallel_loop3A_227 {strides = array<i32>} : memref<100x1x4x128xf32, #tpu.memory_space<vmem>>, vector<16xf32>,
        %parallel_loop3A_236 = arith.constant 1 : i32
        %parallel_loop3A_237 = vector.broadcast %parallel_loop3A_236 : i32 to vector<16xi32>
        %parallel_loop3A_238 = tpu.vector_load_idx %arg5[%parallel_loop3A_224, %parallel_loop3A_237] : memref<8x4xf32, #tpu.memory_space<vmem>>[vector<16xi32>, vector<16xi32>], vector<16xf32>,
        %parallel_loop3A_239 = arith.addi %mul3A_78, %parallel_loop3A_122 : i32
        %parallel_loop3A_240 = arith.constant 0 : i32
        %parallel_loop3A_241 = arith.constant 1 : i32
        %parallel_loop3A_242 = arith.index_cast %parallel_loop3A_239 : i32 to index
        %parallel_loop3A_243 = arith.index_cast %parallel_loop3A_240 : i32 to index
        %parallel_loop3A_244 = arith.index_cast %parallel_loop3A_241 : i32 to index
        %parallel_loop3A_245 = arith.constant 32 : index
        %parallel_loop3A_246 = tpu.vector_load %arg7[%parallel_loop3A_242, %parallel_loop3A_243, %parallel_loop3A_244, %parallel_loop3A_245] {strides = array<i32>} : memref<100x1x4x128xf32, #tpu.memory_space<vmem>>, vector<16xf32>,
        tpu.vector_store %arg7[%parallel_loop3A_242, %parallel_loop3A_243, %parallel_loop3A_244, %parallel_loop3A_245], %parallel_loop3A_238 {strides = array<i32>} : memref<100x1x4x128xf32, #tpu.memory_space<vmem>>, vector<16xf32>,
        %parallel_loop3A_247 = arith.constant 2 : i32
        %parallel_loop3A_248 = vector.broadcast %parallel_loop3A_247 : i32 to vector<16xi32>
        %parallel_loop3A_249 = tpu.vector_load_idx %arg5[%parallel_loop3A_224, %parallel_loop3A_248] : memref<8x4xf32, #tpu.memory_space<vmem>>[vector<16xi32>, vector<16xi32>], vector<16xf32>,
        %parallel_loop3A_250 = arith.addi %mul3A_78, %parallel_loop3A_122 : i32
        %parallel_loop3A_251 = arith.constant 0 : i32
        %parallel_loop3A_252 = arith.constant 2 : i32
        %parallel_loop3A_253 = arith.index_cast %parallel_loop3A_250 : i32 to index
        %parallel_loop3A_254 = arith.index_cast %parallel_loop3A_251 : i32 to index
        %parallel_loop3A_255 = arith.index_cast %parallel_loop3A_252 : i32 to index
        %parallel_loop3A_256 = arith.constant 32 : index
        %parallel_loop3A_257 = tpu.vector_load %arg7[%parallel_loop3A_253, %parallel_loop3A_254, %parallel_loop3A_255, %parallel_loop3A_256] {strides = array<i32>} : memref<100x1x4x128xf32, #tpu.memory_space<vmem>>, vector<16xf32>,
        tpu.vector_store %arg7[%parallel_loop3A_253, %parallel_loop3A_254, %parallel_loop3A_255, %parallel_loop3A_256], %parallel_loop3A_249 {strides = array<i32>} : memref<100x1x4x128xf32, #tpu.memory_space<vmem>>, vector<16xf32>,
        %parallel_loop3A_258 = arith.constant 3 : i32
        %parallel_loop3A_259 = vector.broadcast %parallel_loop3A_258 : i32 to vector<16xi32>
        %parallel_loop3A_260 = tpu.vector_load_idx %arg5[%parallel_loop3A_224, %parallel_loop3A_259] : memref<8x4xf32, #tpu.memory_space<vmem>>[vector<16xi32>, vector<16xi32>], vector<16xf32>,
        %parallel_loop3A_261 = arith.addi %mul3A_78, %parallel_loop3A_122 : i32
        %parallel_loop3A_262 = arith.constant 0 : i32
        %parallel_loop3A_263 = arith.constant 3 : i32
        %parallel_loop3A_264 = arith.index_cast %parallel_loop3A_261 : i32 to index
        %parallel_loop3A_265 = arith.index_cast %parallel_loop3A_262 : i32 to index
        %parallel_loop3A_266 = arith.index_cast %parallel_loop3A_263 : i32 to index
        %parallel_loop3A_267 = arith.constant 32 : index
        %parallel_loop3A_268 = tpu.vector_load %arg7[%parallel_loop3A_264, %parallel_loop3A_265, %parallel_loop3A_266, %parallel_loop3A_267] {strides = array<i32>} : memref<100x1x4x128xf32, #tpu.memory_space<vmem>>, vector<16xf32>,
        tpu.vector_store %arg7[%parallel_loop3A_264, %parallel_loop3A_265, %parallel_loop3A_266, %parallel_loop3A_267], %parallel_loop3A_260 {strides = array<i32>} : memref<100x1x4x128xf32, #tpu.memory_space<vmem>>, vector<16xf32>,
        %parallel_loop3A_269 = arith.constant 48 : i32
        %parallel_loop3A_270 = vector.broadcast %parallel_loop3A_269 : i32 to vector<16xi32>
        %parallel_loop3A_271 = arith.addi %parallel_loop3A_270, %iota3A : vector<16xi32>
        %parallel_loop3A_272 = tpu.vector_load_idx %arg6[%parallel_loop3A_271, %parallel_loop3A_124] : memref<128x200xi32, #tpu.memory_space<vmem>>[vector<16xi32>, vector<16xi32>], vector<16xi32>,
        %parallel_loop3A_273 = arith.constant 0 : i32
        %parallel_loop3A_274 = vector.broadcast %parallel_loop3A_273 : i32 to vector<16xi32>
        %parallel_loop3A_275 = tpu.vector_load_idx %arg5[%parallel_loop3A_272, %parallel_loop3A_274] : memref<8x4xf32, #tpu.memory_space<vmem>>[vector<16xi32>, vector<16xi32>], vector<16xf32>,
        %parallel_loop3A_276 = arith.addi %mul3A_78, %parallel_loop3A_122 : i32
        %parallel_loop3A_277 = arith.constant 0 : i32
        %parallel_loop3A_278 = arith.constant 0 : i32
        %parallel_loop3A_279 = arith.index_cast %parallel_loop3A_276 : i32 to index
        %parallel_loop3A_280 = arith.index_cast %parallel_loop3A_277 : i32 to index
        %parallel_loop3A_281 = arith.index_cast %parallel_loop3A_278 : i32 to index
        %parallel_loop3A_282 = arith.constant 48 : index
        %parallel_loop3A_283 = tpu.vector_load %arg7[%parallel_loop3A_279, %parallel_loop3A_280, %parallel_loop3A_281, %parallel_loop3A_282] {strides = array<i32>} : memref<100x1x4x128xf32, #tpu.memory_space<vmem>>, vector<16xf32>,
        tpu.vector_store %arg7[%parallel_loop3A_279, %parallel_loop3A_280, %parallel_loop3A_281, %parallel_loop3A_282], %parallel_loop3A_275 {strides = array<i32>} : memref<100x1x4x128xf32, #tpu.memory_space<vmem>>, vector<16xf32>,
        %parallel_loop3A_284 = arith.constant 1 : i32
        %parallel_loop3A_285 = vector.broadcast %parallel_loop3A_284 : i32 to vector<16xi32>
        %parallel_loop3A_286 = tpu.vector_load_idx %arg5[%parallel_loop3A_272, %parallel_loop3A_285] : memref<8x4xf32, #tpu.memory_space<vmem>>[vector<16xi32>, vector<16xi32>], vector<16xf32>,
        %parallel_loop3A_287 = arith.addi %mul3A_78, %parallel_loop3A_122 : i32
        %parallel_loop3A_288 = arith.constant 0 : i32
        %parallel_loop3A_289 = arith.constant 1 : i32
        %parallel_loop3A_290 = arith.index_cast %parallel_loop3A_287 : i32 to index
        %parallel_loop3A_291 = arith.index_cast %parallel_loop3A_288 : i32 to index
        %parallel_loop3A_292 = arith.index_cast %parallel_loop3A_289 : i32 to index
        %parallel_loop3A_293 = arith.constant 48 : index
        %parallel_loop3A_294 = tpu.vector_load %arg7[%parallel_loop3A_290, %parallel_loop3A_291, %parallel_loop3A_292, %parallel_loop3A_293] {strides = array<i32>} : memref<100x1x4x128xf32, #tpu.memory_space<vmem>>, vector<16xf32>,
        tpu.vector_store %arg7[%parallel_loop3A_290, %parallel_loop3A_291, %parallel_loop3A_292, %parallel_loop3A_293], %parallel_loop3A_286 {strides = array<i32>} : memref<100x1x4x128xf32, #tpu.memory_space<vmem>>, vector<16xf32>,
        %parallel_loop3A_295 = arith.constant 2 : i32
        %parallel_loop3A_296 = vector.broadcast %parallel_loop3A_295 : i32 to vector<16xi32>
        %parallel_loop3A_297 = tpu.vector_load_idx %arg5[%parallel_loop3A_272, %parallel_loop3A_296] : memref<8x4xf32, #tpu.memory_space<vmem>>[vector<16xi32>, vector<16xi32>], vector<16xf32>,
        %parallel_loop3A_298 = arith.addi %mul3A_78, %parallel_loop3A_122 : i32
        %parallel_loop3A_299 = arith.constant 0 : i32
        %parallel_loop3A_300 = arith.constant 2 : i32
        %parallel_loop3A_301 = arith.index_cast %parallel_loop3A_298 : i32 to index
        %parallel_loop3A_302 = arith.index_cast %parallel_loop3A_299 : i32 to index
        %parallel_loop3A_303 = arith.index_cast %parallel_loop3A_300 : i32 to index
        %parallel_loop3A_304 = arith.constant 48 : index
        %parallel_loop3A_305 = tpu.vector_load %arg7[%parallel_loop3A_301, %parallel_loop3A_302, %parallel_loop3A_303, %parallel_loop3A_304] {strides = array<i32>} : memref<100x1x4x128xf32, #tpu.memory_space<vmem>>, vector<16xf32>,
        tpu.vector_store %arg7[%parallel_loop3A_301, %parallel_loop3A_302, %parallel_loop3A_303, %parallel_loop3A_304], %parallel_loop3A_297 {strides = array<i32>} : memref<100x1x4x128xf32, #tpu.memory_space<vmem>>, vector<16xf32>,
        %parallel_loop3A_306 = arith.constant 3 : i32
        %parallel_loop3A_307 = vector.broadcast %parallel_loop3A_306 : i32 to vector<16xi32>
        %parallel_loop3A_308 = tpu.vector_load_idx %arg5[%parallel_loop3A_272, %parallel_loop3A_307] : memref<8x4xf32, #tpu.memory_space<vmem>>[vector<16xi32>, vector<16xi32>], vector<16xf32>,
        %parallel_loop3A_309 = arith.addi %mul3A_78, %parallel_loop3A_122 : i32
        %parallel_loop3A_310 = arith.constant 0 : i32
        %parallel_loop3A_311 = arith.constant 3 : i32
        %parallel_loop3A_312 = arith.index_cast %parallel_loop3A_309 : i32 to index
        %parallel_loop3A_313 = arith.index_cast %parallel_loop3A_310 : i32 to index
        %parallel_loop3A_314 = arith.index_cast %parallel_loop3A_311 : i32 to index
        %parallel_loop3A_315 = arith.constant 48 : index
        %parallel_loop3A_316 = tpu.vector_load %arg7[%parallel_loop3A_312, %parallel_loop3A_313, %parallel_loop3A_314, %parallel_loop3A_315] {strides = array<i32>} : memref<100x1x4x128xf32, #tpu.memory_space<vmem>>, vector<16xf32>,
        tpu.vector_store %arg7[%parallel_loop3A_312, %parallel_loop3A_313, %parallel_loop3A_314, %parallel_loop3A_315], %parallel_loop3A_308 {strides = array<i32>} : memref<100x1x4x128xf32, #tpu.memory_space<vmem>>, vector<16xf32>,
        %parallel_loop3A_317 = arith.constant 64 : i32
        %parallel_loop3A_318 = vector.broadcast %parallel_loop3A_317 : i32 to vector<16xi32>
        %parallel_loop3A_319 = arith.addi %parallel_loop3A_318, %iota3A : vector<16xi32>
        %parallel_loop3A_320 = tpu.vector_load_idx %arg6[%parallel_loop3A_319, %parallel_loop3A_124] : memref<128x200xi32, #tpu.memory_space<vmem>>[vector<16xi32>, vector<16xi32>], vector<16xi32>,
        %parallel_loop3A_321 = arith.constant 0 : i32
        %parallel_loop3A_322 = vector.broadcast %parallel_loop3A_321 : i32 to vector<16xi32>
        %parallel_loop3A_323 = tpu.vector_load_idx %arg5[%parallel_loop3A_320, %parallel_loop3A_322] : memref<8x4xf32, #tpu.memory_space<vmem>>[vector<16xi32>, vector<16xi32>], vector<16xf32>,
        %parallel_loop3A_324 = arith.addi %mul3A_78, %parallel_loop3A_122 : i32
        %parallel_loop3A_325 = arith.constant 0 : i32
        %parallel_loop3A_326 = arith.constant 0 : i32
        %parallel_loop3A_327 = arith.index_cast %parallel_loop3A_324 : i32 to index
        %parallel_loop3A_328 = arith.index_cast %parallel_loop3A_325 : i32 to index
        %parallel_loop3A_329 = arith.index_cast %parallel_loop3A_326 : i32 to index
        %parallel_loop3A_330 = arith.constant 64 : index
        %parallel_loop3A_331 = tpu.vector_load %arg7[%parallel_loop3A_327, %parallel_loop3A_328, %parallel_loop3A_329, %parallel_loop3A_330] {strides = array<i32>} : memref<100x1x4x128xf32, #tpu.memory_space<vmem>>, vector<16xf32>,
        tpu.vector_store %arg7[%parallel_loop3A_327, %parallel_loop3A_328, %parallel_loop3A_329, %parallel_loop3A_330], %parallel_loop3A_323 {strides = array<i32>} : memref<100x1x4x128xf32, #tpu.memory_space<vmem>>, vector<16xf32>,
        %parallel_loop3A_332 = arith.constant 1 : i32
        %parallel_loop3A_333 = vector.broadcast %parallel_loop3A_332 : i32 to vector<16xi32>
        %parallel_loop3A_334 = tpu.vector_load_idx %arg5[%parallel_loop3A_320, %parallel_loop3A_333] : memref<8x4xf32, #tpu.memory_space<vmem>>[vector<16xi32>, vector<16xi32>], vector<16xf32>,
        %parallel_loop3A_335 = arith.addi %mul3A_78, %parallel_loop3A_122 : i32
        %parallel_loop3A_336 = arith.constant 0 : i32
        %parallel_loop3A_337 = arith.constant 1 : i32
        %parallel_loop3A_338 = arith.index_cast %parallel_loop3A_335 : i32 to index
        %parallel_loop3A_339 = arith.index_cast %parallel_loop3A_336 : i32 to index
        %parallel_loop3A_340 = arith.index_cast %parallel_loop3A_337 : i32 to index
        %parallel_loop3A_341 = arith.constant 64 : index
        %parallel_loop3A_342 = tpu.vector_load %arg7[%parallel_loop3A_338, %parallel_loop3A_339, %parallel_loop3A_340, %parallel_loop3A_341] {strides = array<i32>} : memref<100x1x4x128xf32, #tpu.memory_space<vmem>>, vector<16xf32>,
        tpu.vector_store %arg7[%parallel_loop3A_338, %parallel_loop3A_339, %parallel_loop3A_340, %parallel_loop3A_341], %parallel_loop3A_334 {strides = array<i32>} : memref<100x1x4x128xf32, #tpu.memory_space<vmem>>, vector<16xf32>,
        %parallel_loop3A_343 = arith.constant 2 : i32
        %parallel_loop3A_344 = vector.broadcast %parallel_loop3A_343 : i32 to vector<16xi32>
        %parallel_loop3A_345 = tpu.vector_load_idx %arg5[%parallel_loop3A_320, %parallel_loop3A_344] : memref<8x4xf32, #tpu.memory_space<vmem>>[vector<16xi32>, vector<16xi32>], vector<16xf32>,
        %parallel_loop3A_346 = arith.addi %mul3A_78, %parallel_loop3A_122 : i32
        %parallel_loop3A_347 = arith.constant 0 : i32
        %parallel_loop3A_348 = arith.constant 2 : i32
        %parallel_loop3A_349 = arith.index_cast %parallel_loop3A_346 : i32 to index
        %parallel_loop3A_350 = arith.index_cast %parallel_loop3A_347 : i32 to index
        %parallel_loop3A_351 = arith.index_cast %parallel_loop3A_348 : i32 to index
        %parallel_loop3A_352 = arith.constant 64 : index
        %parallel_loop3A_353 = tpu.vector_load %arg7[%parallel_loop3A_349, %parallel_loop3A_350, %parallel_loop3A_351, %parallel_loop3A_352] {strides = array<i32>} : memref<100x1x4x128xf32, #tpu.memory_space<vmem>>, vector<16xf32>,
        tpu.vector_store %arg7[%parallel_loop3A_349, %parallel_loop3A_350, %parallel_loop3A_351, %parallel_loop3A_352], %parallel_loop3A_345 {strides = array<i32>} : memref<100x1x4x128xf32, #tpu.memory_space<vmem>>, vector<16xf32>,
        %parallel_loop3A_354 = arith.constant 3 : i32
        %parallel_loop3A_355 = vector.broadcast %parallel_loop3A_354 : i32 to vector<16xi32>
        %parallel_loop3A_356 = tpu.vector_load_idx %arg5[%parallel_loop3A_320, %parallel_loop3A_355] : memref<8x4xf32, #tpu.memory_space<vmem>>[vector<16xi32>, vector<16xi32>], vector<16xf32>,
        %parallel_loop3A_357 = arith.addi %mul3A_78, %parallel_loop3A_122 : i32
        %parallel_loop3A_358 = arith.constant 0 : i32
        %parallel_loop3A_359 = arith.constant 3 : i32
        %parallel_loop3A_360 = arith.index_cast %parallel_loop3A_357 : i32 to index
        %parallel_loop3A_361 = arith.index_cast %parallel_loop3A_358 : i32 to index
        %parallel_loop3A_362 = arith.index_cast %parallel_loop3A_359 : i32 to index
        %parallel_loop3A_363 = arith.constant 64 : index
        %parallel_loop3A_364 = tpu.vector_load %arg7[%parallel_loop3A_360, %parallel_loop3A_361, %parallel_loop3A_362, %parallel_loop3A_363] {strides = array<i32>} : memref<100x1x4x128xf32, #tpu.memory_space<vmem>>, vector<16xf32>,
        tpu.vector_store %arg7[%parallel_loop3A_360, %parallel_loop3A_361, %parallel_loop3A_362, %parallel_loop3A_363], %parallel_loop3A_356 {strides = array<i32>} : memref<100x1x4x128xf32, #tpu.memory_space<vmem>>, vector<16xf32>,
        %parallel_loop3A_365 = arith.constant 80 : i32
        %parallel_loop3A_366 = vector.broadcast %parallel_loop3A_365 : i32 to vector<16xi32>
        %parallel_loop3A_367 = arith.addi %parallel_loop3A_366, %iota3A : vector<16xi32>
        %parallel_loop3A_368 = tpu.vector_load_idx %arg6[%parallel_loop3A_367, %parallel_loop3A_124] : memref<128x200xi32, #tpu.memory_space<vmem>>[vector<16xi32>, vector<16xi32>], vector<16xi32>,
        %parallel_loop3A_369 = arith.constant 0 : i32
        %parallel_loop3A_370 = vector.broadcast %parallel_loop3A_369 : i32 to vector<16xi32>
        %parallel_loop3A_371 = tpu.vector_load_idx %arg5[%parallel_loop3A_368, %parallel_loop3A_370] : memref<8x4xf32, #tpu.memory_space<vmem>>[vector<16xi32>, vector<16xi32>], vector<16xf32>,
        %parallel_loop3A_372 = arith.addi %mul3A_78, %parallel_loop3A_122 : i32
        %parallel_loop3A_373 = arith.constant 0 : i32
        %parallel_loop3A_374 = arith.constant 0 : i32
        %parallel_loop3A_375 = arith.index_cast %parallel_loop3A_372 : i32 to index
        %parallel_loop3A_376 = arith.index_cast %parallel_loop3A_373 : i32 to index
        %parallel_loop3A_377 = arith.index_cast %parallel_loop3A_374 : i32 to index
        %parallel_loop3A_378 = arith.constant 80 : index
        %parallel_loop3A_379 = tpu.vector_load %arg7[%parallel_loop3A_375, %parallel_loop3A_376, %parallel_loop3A_377, %parallel_loop3A_378] {strides = array<i32>} : memref<100x1x4x128xf32, #tpu.memory_space<vmem>>, vector<16xf32>,
        tpu.vector_store %arg7[%parallel_loop3A_375, %parallel_loop3A_376, %parallel_loop3A_377, %parallel_loop3A_378], %parallel_loop3A_371 {strides = array<i32>} : memref<100x1x4x128xf32, #tpu.memory_space<vmem>>, vector<16xf32>,
        %parallel_loop3A_380 = arith.constant 1 : i32
        %parallel_loop3A_381 = vector.broadcast %parallel_loop3A_380 : i32 to vector<16xi32>
        %parallel_loop3A_382 = tpu.vector_load_idx %arg5[%parallel_loop3A_368, %parallel_loop3A_381] : memref<8x4xf32, #tpu.memory_space<vmem>>[vector<16xi32>, vector<16xi32>], vector<16xf32>,
        %parallel_loop3A_383 = arith.addi %mul3A_78, %parallel_loop3A_122 : i32
        %parallel_loop3A_384 = arith.constant 0 : i32
        %parallel_loop3A_385 = arith.constant 1 : i32
        %parallel_loop3A_386 = arith.index_cast %parallel_loop3A_383 : i32 to index
        %parallel_loop3A_387 = arith.index_cast %parallel_loop3A_384 : i32 to index
        %parallel_loop3A_388 = arith.index_cast %parallel_loop3A_385 : i32 to index
        %parallel_loop3A_389 = arith.constant 80 : index
        %parallel_loop3A_390 = tpu.vector_load %arg7[%parallel_loop3A_386, %parallel_loop3A_387, %parallel_loop3A_388, %parallel_loop3A_389] {strides = array<i32>} : memref<100x1x4x128xf32, #tpu.memory_space<vmem>>, vector<16xf32>,
        tpu.vector_store %arg7[%parallel_loop3A_386, %parallel_loop3A_387, %parallel_loop3A_388, %parallel_loop3A_389], %parallel_loop3A_382 {strides = array<i32>} : memref<100x1x4x128xf32, #tpu.memory_space<vmem>>, vector<16xf32>,
        %parallel_loop3A_391 = arith.constant 2 : i32
        %parallel_loop3A_392 = vector.broadcast %parallel_loop3A_391 : i32 to vector<16xi32>
        %parallel_loop3A_393 = tpu.vector_load_idx %arg5[%parallel_loop3A_368, %parallel_loop3A_392] : memref<8x4xf32, #tpu.memory_space<vmem>>[vector<16xi32>, vector<16xi32>], vector<16xf32>,
        %parallel_loop3A_394 = arith.addi %mul3A_78, %parallel_loop3A_122 : i32
        %parallel_loop3A_395 = arith.constant 0 : i32
        %parallel_loop3A_396 = arith.constant 2 : i32
        %parallel_loop3A_397 = arith.index_cast %parallel_loop3A_394 : i32 to index
        %parallel_loop3A_398 = arith.index_cast %parallel_loop3A_395 : i32 to index
        %parallel_loop3A_399 = arith.index_cast %parallel_loop3A_396 : i32 to index
        %parallel_loop3A_400 = arith.constant 80 : index
        %parallel_loop3A_401 = tpu.vector_load %arg7[%parallel_loop3A_397, %parallel_loop3A_398, %parallel_loop3A_399, %parallel_loop3A_400] {strides = array<i32>} : memref<100x1x4x128xf32, #tpu.memory_space<vmem>>, vector<16xf32>,
        tpu.vector_store %arg7[%parallel_loop3A_397, %parallel_loop3A_398, %parallel_loop3A_399, %parallel_loop3A_400], %parallel_loop3A_393 {strides = array<i32>} : memref<100x1x4x128xf32, #tpu.memory_space<vmem>>, vector<16xf32>,
        %parallel_loop3A_402 = arith.constant 3 : i32
        %parallel_loop3A_403 = vector.broadcast %parallel_loop3A_402 : i32 to vector<16xi32>
        %parallel_loop3A_404 = tpu.vector_load_idx %arg5[%parallel_loop3A_368, %parallel_loop3A_403] : memref<8x4xf32, #tpu.memory_space<vmem>>[vector<16xi32>, vector<16xi32>], vector<16xf32>,
        %parallel_loop3A_405 = arith.addi %mul3A_78, %parallel_loop3A_122 : i32
        %parallel_loop3A_406 = arith.constant 0 : i32
        %parallel_loop3A_407 = arith.constant 3 : i32
        %parallel_loop3A_408 = arith.index_cast %parallel_loop3A_405 : i32 to index
        %parallel_loop3A_409 = arith.index_cast %parallel_loop3A_406 : i32 to index
        %parallel_loop3A_410 = arith.index_cast %parallel_loop3A_407 : i32 to index
        %parallel_loop3A_411 = arith.constant 80 : index
        %parallel_loop3A_412 = tpu.vector_load %arg7[%parallel_loop3A_408, %parallel_loop3A_409, %parallel_loop3A_410, %parallel_loop3A_411] {strides = array<i32>} : memref<100x1x4x128xf32, #tpu.memory_space<vmem>>, vector<16xf32>,
        tpu.vector_store %arg7[%parallel_loop3A_408, %parallel_loop3A_409, %parallel_loop3A_410, %parallel_loop3A_411], %parallel_loop3A_404 {strides = array<i32>} : memref<100x1x4x128xf32, #tpu.memory_space<vmem>>, vector<16xf32>,
        %parallel_loop3A_413 = arith.constant 96 : i32
        %parallel_loop3A_414 = vector.broadcast %parallel_loop3A_413 : i32 to vector<16xi32>
        %parallel_loop3A_415 = arith.addi %parallel_loop3A_414, %iota3A : vector<16xi32>
        %parallel_loop3A_416 = tpu.vector_load_idx %arg6[%parallel_loop3A_415, %parallel_loop3A_124] : memref<128x200xi32, #tpu.memory_space<vmem>>[vector<16xi32>, vector<16xi32>], vector<16xi32>,
        %parallel_loop3A_417 = arith.constant 0 : i32
        %parallel_loop3A_418 = vector.broadcast %parallel_loop3A_417 : i32 to vector<16xi32>
        %parallel_loop3A_419 = tpu.vector_load_idx %arg5[%parallel_loop3A_416, %parallel_loop3A_418] : memref<8x4xf32, #tpu.memory_space<vmem>>[vector<16xi32>, vector<16xi32>], vector<16xf32>,
        %parallel_loop3A_420 = arith.addi %mul3A_78, %parallel_loop3A_122 : i32
        %parallel_loop3A_421 = arith.constant 0 : i32
        %parallel_loop3A_422 = arith.constant 0 : i32
        %parallel_loop3A_423 = arith.index_cast %parallel_loop3A_420 : i32 to index
        %parallel_loop3A_424 = arith.index_cast %parallel_loop3A_421 : i32 to index
        %parallel_loop3A_425 = arith.index_cast %parallel_loop3A_422 : i32 to index
        %parallel_loop3A_426 = arith.constant 96 : index
        %parallel_loop3A_427 = tpu.vector_load %arg7[%parallel_loop3A_423, %parallel_loop3A_424, %parallel_loop3A_425, %parallel_loop3A_426] {strides = array<i32>} : memref<100x1x4x128xf32, #tpu.memory_space<vmem>>, vector<16xf32>,
        tpu.vector_store %arg7[%parallel_loop3A_423, %parallel_loop3A_424, %parallel_loop3A_425, %parallel_loop3A_426], %parallel_loop3A_419 {strides = array<i32>} : memref<100x1x4x128xf32, #tpu.memory_space<vmem>>, vector<16xf32>,
        %parallel_loop3A_428 = arith.constant 1 : i32
        %parallel_loop3A_429 = vector.broadcast %parallel_loop3A_428 : i32 to vector<16xi32>
        %parallel_loop3A_430 = tpu.vector_load_idx %arg5[%parallel_loop3A_416, %parallel_loop3A_429] : memref<8x4xf32, #tpu.memory_space<vmem>>[vector<16xi32>, vector<16xi32>], vector<16xf32>,
        %parallel_loop3A_431 = arith.addi %mul3A_78, %parallel_loop3A_122 : i32
        %parallel_loop3A_432 = arith.constant 0 : i32
        %parallel_loop3A_433 = arith.constant 1 : i32
        %parallel_loop3A_434 = arith.index_cast %parallel_loop3A_431 : i32 to index
        %parallel_loop3A_435 = arith.index_cast %parallel_loop3A_432 : i32 to index
        %parallel_loop3A_436 = arith.index_cast %parallel_loop3A_433 : i32 to index
        %parallel_loop3A_437 = arith.constant 96 : index
        %parallel_loop3A_438 = tpu.vector_load %arg7[%parallel_loop3A_434, %parallel_loop3A_435, %parallel_loop3A_436, %parallel_loop3A_437] {strides = array<i32>} : memref<100x1x4x128xf32, #tpu.memory_space<vmem>>, vector<16xf32>,
        tpu.vector_store %arg7[%parallel_loop3A_434, %parallel_loop3A_435, %parallel_loop3A_436, %parallel_loop3A_437], %parallel_loop3A_430 {strides = array<i32>} : memref<100x1x4x128xf32, #tpu.memory_space<vmem>>, vector<16xf32>,
        %parallel_loop3A_439 = arith.constant 2 : i32
        %parallel_loop3A_440 = vector.broadcast %parallel_loop3A_439 : i32 to vector<16xi32>
        %parallel_loop3A_441 = tpu.vector_load_idx %arg5[%parallel_loop3A_416, %parallel_loop3A_440] : memref<8x4xf32, #tpu.memory_space<vmem>>[vector<16xi32>, vector<16xi32>], vector<16xf32>,
        %parallel_loop3A_442 = arith.addi %mul3A_78, %parallel_loop3A_122 : i32
        %parallel_loop3A_443 = arith.constant 0 : i32
        %parallel_loop3A_444 = arith.constant 2 : i32
        %parallel_loop3A_445 = arith.index_cast %parallel_loop3A_442 : i32 to index
        %parallel_loop3A_446 = arith.index_cast %parallel_loop3A_443 : i32 to index
        %parallel_loop3A_447 = arith.index_cast %parallel_loop3A_444 : i32 to index
        %parallel_loop3A_448 = arith.constant 96 : index
        %parallel_loop3A_449 = tpu.vector_load %arg7[%parallel_loop3A_445, %parallel_loop3A_446, %parallel_loop3A_447, %parallel_loop3A_448] {strides = array<i32>} : memref<100x1x4x128xf32, #tpu.memory_space<vmem>>, vector<16xf32>,
        tpu.vector_store %arg7[%parallel_loop3A_445, %parallel_loop3A_446, %parallel_loop3A_447, %parallel_loop3A_448], %parallel_loop3A_441 {strides = array<i32>} : memref<100x1x4x128xf32, #tpu.memory_space<vmem>>, vector<16xf32>,
        %parallel_loop3A_450 = arith.constant 3 : i32
        %parallel_loop3A_451 = vector.broadcast %parallel_loop3A_450 : i32 to vector<16xi32>
        %parallel_loop3A_452 = tpu.vector_load_idx %arg5[%parallel_loop3A_416, %parallel_loop3A_451] : memref<8x4xf32, #tpu.memory_space<vmem>>[vector<16xi32>, vector<16xi32>], vector<16xf32>,
        %parallel_loop3A_453 = arith.addi %mul3A_78, %parallel_loop3A_122 : i32
        %parallel_loop3A_454 = arith.constant 0 : i32
        %parallel_loop3A_455 = arith.constant 3 : i32
        %parallel_loop3A_456 = arith.index_cast %parallel_loop3A_453 : i32 to index
        %parallel_loop3A_457 = arith.index_cast %parallel_loop3A_454 : i32 to index
        %parallel_loop3A_458 = arith.index_cast %parallel_loop3A_455 : i32 to index
        %parallel_loop3A_459 = arith.constant 96 : index
        %parallel_loop3A_460 = tpu.vector_load %arg7[%parallel_loop3A_456, %parallel_loop3A_457, %parallel_loop3A_458, %parallel_loop3A_459] {strides = array<i32>} : memref<100x1x4x128xf32, #tpu.memory_space<vmem>>, vector<16xf32>,
        tpu.vector_store %arg7[%parallel_loop3A_456, %parallel_loop3A_457, %parallel_loop3A_458, %parallel_loop3A_459], %parallel_loop3A_452 {strides = array<i32>} : memref<100x1x4x128xf32, #tpu.memory_space<vmem>>, vector<16xf32>,
        %parallel_loop3A_461 = arith.constant 112 : i32
        %parallel_loop3A_462 = vector.broadcast %parallel_loop3A_461 : i32 to vector<16xi32>
        %parallel_loop3A_463 = arith.addi %parallel_loop3A_462, %iota3A : vector<16xi32>
        %parallel_loop3A_464 = tpu.vector_load_idx %arg6[%parallel_loop3A_463, %parallel_loop3A_124] : memref<128x200xi32, #tpu.memory_space<vmem>>[vector<16xi32>, vector<16xi32>], vector<16xi32>,
        %parallel_loop3A_465 = arith.constant 0 : i32
        %parallel_loop3A_466 = vector.broadcast %parallel_loop3A_465 : i32 to vector<16xi32>
        %parallel_loop3A_467 = tpu.vector_load_idx %arg5[%parallel_loop3A_464, %parallel_loop3A_466] : memref<8x4xf32, #tpu.memory_space<vmem>>[vector<16xi32>, vector<16xi32>], vector<16xf32>,
        %parallel_loop3A_468 = arith.addi %mul3A_78, %parallel_loop3A_122 : i32
        %parallel_loop3A_469 = arith.constant 0 : i32
        %parallel_loop3A_470 = arith.constant 0 : i32
        %parallel_loop3A_471 = arith.index_cast %parallel_loop3A_468 : i32 to index
        %parallel_loop3A_472 = arith.index_cast %parallel_loop3A_469 : i32 to index
        %parallel_loop3A_473 = arith.index_cast %parallel_loop3A_470 : i32 to index
        %parallel_loop3A_474 = arith.constant 112 : index
        %parallel_loop3A_475 = tpu.vector_load %arg7[%parallel_loop3A_471, %parallel_loop3A_472, %parallel_loop3A_473, %parallel_loop3A_474] {strides = array<i32>} : memref<100x1x4x128xf32, #tpu.memory_space<vmem>>, vector<16xf32>,
        tpu.vector_store %arg7[%parallel_loop3A_471, %parallel_loop3A_472, %parallel_loop3A_473, %parallel_loop3A_474], %parallel_loop3A_467 {strides = array<i32>} : memref<100x1x4x128xf32, #tpu.memory_space<vmem>>, vector<16xf32>,
        %parallel_loop3A_476 = arith.constant 1 : i32
        %parallel_loop3A_477 = vector.broadcast %parallel_loop3A_476 : i32 to vector<16xi32>
        %parallel_loop3A_478 = tpu.vector_load_idx %arg5[%parallel_loop3A_464, %parallel_loop3A_477] : memref<8x4xf32, #tpu.memory_space<vmem>>[vector<16xi32>, vector<16xi32>], vector<16xf32>,
        %parallel_loop3A_479 = arith.addi %mul3A_78, %parallel_loop3A_122 : i32
        %parallel_loop3A_480 = arith.constant 0 : i32
        %parallel_loop3A_481 = arith.constant 1 : i32
        %parallel_loop3A_482 = arith.index_cast %parallel_loop3A_479 : i32 to index
        %parallel_loop3A_483 = arith.index_cast %parallel_loop3A_480 : i32 to index
        %parallel_loop3A_484 = arith.index_cast %parallel_loop3A_481 : i32 to index
        %parallel_loop3A_485 = arith.constant 112 : index
        %parallel_loop3A_486 = tpu.vector_load %arg7[%parallel_loop3A_482, %parallel_loop3A_483, %parallel_loop3A_484, %parallel_loop3A_485] {strides = array<i32>} : memref<100x1x4x128xf32, #tpu.memory_space<vmem>>, vector<16xf32>,
        tpu.vector_store %arg7[%parallel_loop3A_482, %parallel_loop3A_483, %parallel_loop3A_484, %parallel_loop3A_485], %parallel_loop3A_478 {strides = array<i32>} : memref<100x1x4x128xf32, #tpu.memory_space<vmem>>, vector<16xf32>,
        %parallel_loop3A_487 = arith.constant 2 : i32
        %parallel_loop3A_488 = vector.broadcast %parallel_loop3A_487 : i32 to vector<16xi32>
        %parallel_loop3A_489 = tpu.vector_load_idx %arg5[%parallel_loop3A_464, %parallel_loop3A_488] : memref<8x4xf32, #tpu.memory_space<vmem>>[vector<16xi32>, vector<16xi32>], vector<16xf32>,
        %parallel_loop3A_490 = arith.addi %mul3A_78, %parallel_loop3A_122 : i32
        %parallel_loop3A_491 = arith.constant 0 : i32
        %parallel_loop3A_492 = arith.constant 2 : i32
        %parallel_loop3A_493 = arith.index_cast %parallel_loop3A_490 : i32 to index
        %parallel_loop3A_494 = arith.index_cast %parallel_loop3A_491 : i32 to index
        %parallel_loop3A_495 = arith.index_cast %parallel_loop3A_492 : i32 to index
        %parallel_loop3A_496 = arith.constant 112 : index
        %parallel_loop3A_497 = tpu.vector_load %arg7[%parallel_loop3A_493, %parallel_loop3A_494, %parallel_loop3A_495, %parallel_loop3A_496] {strides = array<i32>} : memref<100x1x4x128xf32, #tpu.memory_space<vmem>>, vector<16xf32>,
        tpu.vector_store %arg7[%parallel_loop3A_493, %parallel_loop3A_494, %parallel_loop3A_495, %parallel_loop3A_496], %parallel_loop3A_489 {strides = array<i32>} : memref<100x1x4x128xf32, #tpu.memory_space<vmem>>, vector<16xf32>,
        %parallel_loop3A_498 = arith.constant 3 : i32
        %parallel_loop3A_499 = vector.broadcast %parallel_loop3A_498 : i32 to vector<16xi32>
        %parallel_loop3A_500 = tpu.vector_load_idx %arg5[%parallel_loop3A_464, %parallel_loop3A_499] : memref<8x4xf32, #tpu.memory_space<vmem>>[vector<16xi32>, vector<16xi32>], vector<16xf32>,
        %parallel_loop3A_501 = arith.addi %mul3A_78, %parallel_loop3A_122 : i32
        %parallel_loop3A_502 = arith.constant 0 : i32
        %parallel_loop3A_503 = arith.constant 3 : i32
        %parallel_loop3A_504 = arith.index_cast %parallel_loop3A_501 : i32 to index
        %parallel_loop3A_505 = arith.index_cast %parallel_loop3A_502 : i32 to index
        %parallel_loop3A_506 = arith.index_cast %parallel_loop3A_503 : i32 to index
        %parallel_loop3A_507 = arith.constant 112 : index
        %parallel_loop3A_508 = tpu.vector_load %arg7[%parallel_loop3A_504, %parallel_loop3A_505, %parallel_loop3A_506, %parallel_loop3A_507] {strides = array<i32>} : memref<100x1x4x128xf32, #tpu.memory_space<vmem>>, vector<16xf32>,
        tpu.vector_store %arg7[%parallel_loop3A_504, %parallel_loop3A_505, %parallel_loop3A_506, %parallel_loop3A_507], %parallel_loop3A_500 {strides = array<i32>} : memref<100x1x4x128xf32, #tpu.memory_space<vmem>>, vector<16xf32>,
      } {sc.loop_unroll_factor = 2 : i64, sc.parallel_access}
      %mul3A_98 = arith.constant 4 : i32
      %mul3A_99 = arith.muli %add3A, %mul3A_98 : i32
      %shift_right_logical3A_100 = arith.constant 2 : i32
      %shift_right_logical3A_101 = arith.shrui %scan3A_64, %shift_right_logical3A_100 : i32
      %add3A_102 = arith.addi %mul3A_99, %shift_right_logical3A_101 : i32
      %and3A_103 = arith.constant 3 : i32
      %and3A_104 = arith.andi %scan3A_64, %and3A_103 : i32
      %mul3A_105 = arith.constant 50 : i32
      %mul3A_106 = arith.muli %and3A_104, %mul3A_105 : i32
      %and3A_107 = arith.constant 1 : i32
      %and3A_108 = arith.andi %scan3A_64, %and3A_107 : i32
      %mul3A_109 = arith.constant 50 : i32
      %mul3A_110 = arith.muli %and3A_108, %mul3A_109 : i32
      %eq3A_111 = arith.constant 0 : i32
      %eq3A_112 = arith.cmpi eq, %and3A_74, %eq3A_111 : i32
      %convert_element_type3A_113 = arith.extui %eq3A_112 : i1 to i32
      %cond3A_114 = arith.constant 0 : i32
      %cond3A_115 = arith.cmpi ne, %convert_element_type3A_113, %cond3A_114 : i32
      scf.if %cond3A_115 {
        %dma_start3A = arith.constant 0 : i32
        %dma_start3A_122 = arith.constant 0 : i32
        %dma_start3A_123 = arith.constant 0 : i32
        %dma_start3A_124 = tpu.memref_slice %arg7[%mul3A_110, %dma_start3A, %dma_start3A_122, %dma_start3A_123] : memref<100x1x4x128xf32, #tpu.memory_space<vmem>> -> memref<50x1x4x128xf32, #tpu.memory_space<vmem>>
        %dma_start3A_125 = arith.constant 0 : i32
        %dma_start3A_126 = arith.constant 0 : i32
        %dma_start3A_127 = tpu.memref_slice %arg4[%mul3A_106, %add3A_102, %dma_start3A_125, %dma_start3A_126] : memref<200x128x4x128xf32, #tpu.memory_space<hbm>> -> memref<50x1x4x128xf32, #tpu.memory_space<hbm>>
        %dma_start3A_128 = arith.constant 0 : i32
        %dma_start3A_129 = arith.constant 0 : i32
        %dma_start3A_130 = tpu.memref_slice %arg4[%mul3A_106, %add3A_102, %dma_start3A_128, %dma_start3A_129] : memref<200x128x4x128xf32, #tpu.memory_space<hbm>> -> memref<50x1x4x128xf32, #tpu.memory_space<hbm>>
        %dma_start3A_131 = arith.constant 0 : i32
        %dma_start3A_132 = arith.constant 0 : i32
        %dma_start3A_133 = arith.constant 0 : i32
        %dma_start3A_134 = tpu.memref_slice %arg7[%mul3A_110, %dma_start3A_131, %dma_start3A_132, %dma_start3A_133] : memref<100x1x4x128xf32, #tpu.memory_space<vmem>> -> memref<50x1x4x128xf32, #tpu.memory_space<vmem>>
        tpu.enqueue_dma source(%dma_start3A_134 : memref<50x1x4x128xf32, #tpu.memory_space<vmem>>) target(%dma_start3A_130 : memref<50x1x4x128xf32, #tpu.memory_space<hbm>>) target_semaphore(%arg8 : memref<!tpu.dma_semaphore, #tpu.memory_space<semaphore_mem>>)
      } else {
      }
      %eq3A_116 = arith.constant 1 : i32
      %eq3A_117 = arith.cmpi eq, %and3A_74, %eq3A_116 : i32
      %convert_element_type3A_118 = arith.extui %eq3A_117 : i1 to i32
      %cond3A_119 = arith.constant 0 : i32
      %cond3A_120 = arith.cmpi ne, %convert_element_type3A_118, %cond3A_119 : i32
      scf.if %cond3A_120 {
        %dma_start3A = arith.constant 0 : i32
        %dma_start3A_122 = arith.constant 0 : i32
        %dma_start3A_123 = arith.constant 0 : i32
        %dma_start3A_124 = tpu.memref_slice %arg7[%mul3A_110, %dma_start3A, %dma_start3A_122, %dma_start3A_123] : memref<100x1x4x128xf32, #tpu.memory_space<vmem>> -> memref<50x1x4x128xf32, #tpu.memory_space<vmem>>
        %dma_start3A_125 = arith.constant 0 : i32
        %dma_start3A_126 = arith.constant 0 : i32
        %dma_start3A_127 = tpu.memref_slice %arg4[%mul3A_106, %add3A_102, %dma_start3A_125, %dma_start3A_126] : memref<200x128x4x128xf32, #tpu.memory_space<hbm>> -> memref<50x1x4x128xf32, #tpu.memory_space<hbm>>
        %dma_start3A_128 = arith.constant 0 : i32
        %dma_start3A_129 = arith.constant 0 : i32
        %dma_start3A_130 = tpu.memref_slice %arg4[%mul3A_106, %add3A_102, %dma_start3A_128, %dma_start3A_129] : memref<200x128x4x128xf32, #tpu.memory_space<hbm>> -> memref<50x1x4x128xf32, #tpu.memory_space<hbm>>
        %dma_start3A_131 = arith.constant 0 : i32
        %dma_start3A_132 = arith.constant 0 : i32
        %dma_start3A_133 = arith.constant 0 : i32
        %dma_start3A_134 = tpu.memref_slice %arg7[%mul3A_110, %dma_start3A_131, %dma_start3A_132, %dma_start3A_133] : memref<100x1x4x128xf32, #tpu.memory_space<vmem>> -> memref<50x1x4x128xf32, #tpu.memory_space<vmem>>
        tpu.enqueue_dma source(%dma_start3A_134 : memref<50x1x4x128xf32, #tpu.memory_space<vmem>>) target(%dma_start3A_130 : memref<50x1x4x128xf32, #tpu.memory_space<hbm>>) target_semaphore(%arg9 : memref<!tpu.dma_semaphore, #tpu.memory_space<semaphore_mem>>)
      } else {
      }
      %scan3A_121 = arith.constant 0 : i32
      scf.yield %scan3A_121 : i32
    }
    %scan3A_6 = arith.constant 16 : i32
    %mul3A_7 = arith.constant 4 : i32
    %mul3A_8 = arith.muli %add3A, %mul3A_7 : i32
    %shift_right_logical3A = arith.constant 14 : i32
    %shift_right_logical3A_9 = arith.constant 2 : i32
    %shift_right_logical3A_10 = arith.shrui %shift_right_logical3A, %shift_right_logical3A_9 : i32
    %add3A_11 = arith.addi %mul3A_8, %shift_right_logical3A_10 : i32
    %and3A = arith.constant 14 : i32
    %and3A_12 = arith.constant 3 : i32
    %and3A_13 = arith.andi %and3A, %and3A_12 : i32
    %mul3A_14 = arith.constant 50 : i32
    %mul3A_15 = arith.muli %and3A_13, %mul3A_14 : i32
    %and3A_16 = arith.constant 14 : i32
    %and3A_17 = arith.constant 1 : i32
    %and3A_18 = arith.andi %and3A_16, %and3A_17 : i32
    %mul3A_19 = arith.constant 50 : i32
    %mul3A_20 = arith.muli %and3A_18, %mul3A_19 : i32
    %dma_wait3A = arith.constant 0 : i32
    %dma_wait3A_21 = arith.constant 0 : i32
    %dma_wait3A_22 = arith.constant 0 : i32
    %dma_wait3A_23 = tpu.memref_slice %arg7[%mul3A_20, %dma_wait3A, %dma_wait3A_21, %dma_wait3A_22] : memref<100x1x4x128xf32, #tpu.memory_space<vmem>> -> memref<50x1x4x128xf32, #tpu.memory_space<vmem>>
    %dma_wait3A_24 = arith.constant 0 : i32
    %dma_wait3A_25 = arith.constant 0 : i32
    %dma_wait3A_26 = tpu.memref_slice %arg4[%mul3A_15, %add3A_11, %dma_wait3A_24, %dma_wait3A_25] : memref<200x128x4x128xf32, #tpu.memory_space<hbm>> -> memref<50x1x4x128xf32, #tpu.memory_space<hbm>>
    %dma_wait3A_27 = arith.constant 0 : i32
    %dma_wait3A_28 = arith.constant 0 : i32
    %dma_wait3A_29 = tpu.memref_slice %arg4[%mul3A_15, %add3A_11, %dma_wait3A_27, %dma_wait3A_28] : memref<200x128x4x128xf32, #tpu.memory_space<hbm>> -> memref<50x1x4x128xf32, #tpu.memory_space<hbm>>
    %dma_wait3A_30 = arith.constant 0 : i32
    %dma_wait3A_31 = arith.constant 0 : i32
    %dma_wait3A_32 = arith.constant 0 : i32
    %dma_wait3A_33 = tpu.memref_slice %arg7[%mul3A_20, %dma_wait3A_30, %dma_wait3A_31, %dma_wait3A_32] : memref<100x1x4x128xf32, #tpu.memory_space<vmem>> -> memref<50x1x4x128xf32, #tpu.memory_space<vmem>>
    tpu.wait_dma2 semaphore(%arg8 : memref<!tpu.dma_semaphore, #tpu.memory_space<semaphore_mem>>) src(%dma_wait3A_33 : memref<50x1x4x128xf32, #tpu.memory_space<vmem>>) dst(%dma_wait3A_29 : memref<50x1x4x128xf32, #tpu.memory_space<hbm>>)
    %mul3A_34 = arith.constant 4 : i32
    %mul3A_35 = arith.muli %add3A, %mul3A_34 : i32
    %shift_right_logical3A_36 = arith.constant 15 : i32
    %shift_right_logical3A_37 = arith.constant 2 : i32
    %shift_right_logical3A_38 = arith.shrui %shift_right_logical3A_36, %shift_right_logical3A_37 : i32
    %add3A_39 = arith.addi %mul3A_35, %shift_right_logical3A_38 : i32
    %and3A_40 = arith.constant 15 : i32
    %and3A_41 = arith.constant 3 : i32
    %and3A_42 = arith.andi %and3A_40, %and3A_41 : i32
    %mul3A_43 = arith.constant 50 : i32
    %mul3A_44 = arith.muli %and3A_42, %mul3A_43 : i32
    %and3A_45 = arith.constant 15 : i32
    %and3A_46 = arith.constant 1 : i32
    %and3A_47 = arith.andi %and3A_45, %and3A_46 : i32
    %mul3A_48 = arith.constant 50 : i32
    %mul3A_49 = arith.muli %and3A_47, %mul3A_48 : i32
    %dma_wait3A_50 = arith.constant 0 : i32
    %dma_wait3A_51 = arith.constant 0 : i32
    %dma_wait3A_52 = arith.constant 0 : i32
    %dma_wait3A_53 = tpu.memref_slice %arg7[%mul3A_49, %dma_wait3A_50, %dma_wait3A_51, %dma_wait3A_52] : memref<100x1x4x128xf32, #tpu.memory_space<vmem>> -> memref<50x1x4x128xf32, #tpu.memory_space<vmem>>
    %dma_wait3A_54 = arith.constant 0 : i32
    %dma_wait3A_55 = arith.constant 0 : i32
    %dma_wait3A_56 = tpu.memref_slice %arg4[%mul3A_44, %add3A_39, %dma_wait3A_54, %dma_wait3A_55] : memref<200x128x4x128xf32, #tpu.memory_space<hbm>> -> memref<50x1x4x128xf32, #tpu.memory_space<hbm>>
    %dma_wait3A_57 = arith.constant 0 : i32
    %dma_wait3A_58 = arith.constant 0 : i32
    %dma_wait3A_59 = tpu.memref_slice %arg4[%mul3A_44, %add3A_39, %dma_wait3A_57, %dma_wait3A_58] : memref<200x128x4x128xf32, #tpu.memory_space<hbm>> -> memref<50x1x4x128xf32, #tpu.memory_space<hbm>>
    %dma_wait3A_60 = arith.constant 0 : i32
    %dma_wait3A_61 = arith.constant 0 : i32
    %dma_wait3A_62 = arith.constant 0 : i32
    %dma_wait3A_63 = tpu.memref_slice %arg7[%mul3A_49, %dma_wait3A_60, %dma_wait3A_61, %dma_wait3A_62] : memref<100x1x4x128xf32, #tpu.memory_space<vmem>> -> memref<50x1x4x128xf32, #tpu.memory_space<vmem>>
    tpu.wait_dma2 semaphore(%arg9 : memref<!tpu.dma_semaphore, #tpu.memory_space<semaphore_mem>>) src(%dma_wait3A_63 : memref<50x1x4x128xf32, #tpu.memory_space<vmem>>) dst(%dma_wait3A_59 : memref<50x1x4x128xf32, #tpu.memory_space<hbm>>)
    return
  }
}

</mosaic_0001>

<sc_bundles>
// kernel: kernel.3.cloned.1.call-start
scs
__scs_entry_jumppad:
0x0: {  	(pc) =	sbr.rel $0x88, $3  }
0x1: {  	(tag) =	ssettag $0x0;
	lr =	simm.s32 $0x1  }
0x2: {  	[smem:$0x3F9F] =	sst lr;
	_ =	strace $0xD0000000  }
0x3: {  	_ = 	snop  }
0x4: {  	_ = 	snop  }
0x5: {  	_ = 	snop  }
0x6: {  	_ = 	snop  }
0x7: {  	_ = 	snop  }
__scs_overlays_trampoline_lowered:
0x8: {  	[smem:$0x3FAE] =	sst s0  }
0x9: {  	[smem:$0x3FAF] =	sst s1  }
0xa: {  	[smem:$0x3FB0] =	sst s2  }
0xb: {  	[smem:$0x3FB1] =	sst s3  }
0xc: {  	[smem:$0x3FB2] =	sst s4  }
0xd: {  	[smem:$0x3FB3] =	sst s5  }
0xe: {  	[smem:$0x3FB4] =	sst s6  }
0xf: {  	[smem:$0x3FB5] =	sst s7  }
0x10: {  	[smem:$0x3FB6] =	sst s8  }
0x11: {  	[smem:$0x3FB7] =	sst s9;
	s0 =	simm.s32 @!p0 $0x0  }
0x12: {  	s1 =	sld [smem:$0x3F9D];
	s0 =	simm.s32 @p0 $0x1  }
0x13: {  	[smem:$0x3FB8] =	sst s0;
	s0 =	simm.s32 @!p1 $0x0  }
0x14: {  	s2 =	sld [smem:$0x3F9C];
	s0 =	simm.s32 @p1 $0x1  }
0x15: {  	[smem:$0x3FB9] =	sst s0;
	s0 =	simm.s32 @!p2 $0x0  }
0x16: {  	s3 =	sld [smem:$0x3FDB];
	s0 =	simm.s32 @p2 $0x1  }
0x17: {  	s4 =	simm.s32 $0x1BF5;
	[smem:$0x3FBB] =	sst s0  }
0x18: {  	s0 =	sld [smem:$0x3F9E];
	_ =	swait.ge [sflag:s4], $0x0  }
0x19: {  	s7 =	sld [smem:$0x3F9F]  }
0x1a: {  	s8 =	sadd.s32 $0xFFFFE003, lr  }
0x1b: {  	s9 =	sadd.s32 $0xFFFFFEF7, lr;
	s5 =	simm.s32 $0xFFFFFFFF;
	p2 =	slt.u32 s8, $0xFFFFF086  }
0x1c: {  	p1 =	slt.u32 s9, $0xF7A;
	s5 =	simm.s32 @!p2 $0x0  }
0x1d: {  	s5 =	simm.s32 @p1 $0x1;
	p0 =	seq.s32 s7, s2  }
0x1e: {  	s7 =	smul.u32 @!p0 $0xF7A, s2;
	p2 =	seq.s32 @!p0 s5, $0x0  }
0x1f: {  	s9 =	smul.u32 $0xF7A, s1;
	s8 =	simm.s32 @!p0 $0x1BF5;
	p2 =	por !p2, p0  }
0x20: {  	[sflag:s8] =	ssyncset.s32 @!p0 $0xFFFFF086;
	s6 =	sadd.s32 @!p0 s3, s7;
	s7 =	simm.s32 @!p0 $0x108  }
0x21: {  	s3 =	sadd.s32 s3, s9;
	s6 =	sadd.s32 @!p0 $0x88, s6;
	s7 =	simm.s32 @p2 $0x1082  }
0x22: {  	[simem:s7], [sflag:s8] =	dma.local @!p0 [hbm:s6], $0xF7A  }
0x23: {  	s9 =	sor.u32 $0xD0000000, s2;
	s6 =	simm.s32 $0x108;
	_ =	swait.ge @!p0 [sflag:s8], $0x0  }
0x24: {  	s3 =	sadd.s32 $0x88, s3;
	s6 =	simm.s32 @!p1 $0x1082;
	[sflag:s4] =	ssyncset.s32 $0xFFFFF086  }
0x25: {  	[simem:s6], [sflag:s4] =	dma.local [hbm:s3], $0xF7A  }
0x26: {  	[smem:$0x3F9F] =	sst s1;
	(tag) =	ssettag s2;
	_ =	strace s9  }
0x27: {  	s1 =	sld [smem:$0x3FAF]  }
0x28: {  	s2 =	sld [smem:$0x3FB0]  }
0x29: {  	s4 =	sld [smem:$0x3FB2]  }
0x2a: {  	p0 =	seq.s32 s5, $0x0;
	s5 =	sld [smem:$0x3FB3]  }
0x2b: {  	s6 =	sld [smem:$0x3FB4]  }
0x2c: {  	s7 =	sld [smem:$0x3FB5]  }
0x2d: {  	s3 =	simm.s32 $0x108;
	s8 =	sld [smem:$0x3FB6]  }
0x2e: {  	s3 =	simm.s32 @!p0 $0x1082;
	s9 =	sld [smem:$0x3FB7]  }
0x2f: {  	lr =	sadd.s32 s0, s3;
	s0 =	sld [smem:$0x3FAE]  }
0x30: {  	s3 =	sld [smem:$0x3FB1]  }
0x31: {  	[smem:$0x3FBA] =	sst s10  }
0x32: {  	s10 =	sld [smem:$0x3FB8];
	_ =	sdelay $0x3  }
0x33: {  	p0 =	seq.s32 s10, $0x1;
	s10 =	sld [smem:$0x3FBA];
	_ =	sdelay $0x3  }
0x34: {  	[smem:$0x3FBA] =	sst s10  }
0x35: {  	s10 =	sld [smem:$0x3FB9];
	_ =	sdelay $0x3  }
0x36: {  	p1 =	seq.s32 s10, $0x1;
	s10 =	sld [smem:$0x3FBA];
	_ =	sdelay $0x3  }
0x37: {  	[smem:$0x3FBA] =	sst s10  }
0x38: {  	s10 =	sld [smem:$0x3FBB]  }
0x39: {  	_ = 	snop;
	(pc) =	sbr.ind lr, $3  }
0x3a: {  	_ = 	snop  }
0x3b: {  	_ = 	snop  }
0x3c: {  	p2 =	seq.s32 s10, $0x1;
	s10 =	sld [smem:$0x3FBA]  }
0x3d: {  	_ =	shalt  }
0x3e: {  	_ =	shalt  }
0x3f: {  	_ =	shalt  }
0x40: {  	_ =	shalt  }
0x41: {  	_ =	shalt  }
0x42: {  	_ =	shalt  }
0x43: {  	_ =	shalt  }
0x44: {  	_ =	shalt  }
0x45: {  	_ =	shalt  }
0x46: {  	_ =	shalt  }
0x47: {  	_ =	shalt  }
0x48: {  	_ =	shalt  }
0x49: {  	_ =	shalt  }
0x4a: {  	_ =	shalt  }
0x4b: {  	_ =	shalt  }
0x4c: {  	_ =	shalt  }
0x4d: {  	_ =	shalt  }
0x4e: {  	_ =	shalt  }
0x4f: {  	_ =	shalt  }
0x50: {  	_ =	shalt  }
0x51: {  	_ =	shalt  }
0x52: {  	_ =	shalt  }
0x53: {  	_ =	shalt  }
0x54: {  	_ =	shalt  }
0x55: {  	_ =	shalt  }
0x56: {  	_ =	shalt  }
0x57: {  	_ =	shalt  }
0x58: {  	_ =	shalt  }
0x59: {  	_ =	shalt  }
0x5a: {  	_ =	shalt  }
0x5b: {  	_ =	shalt  }
0x5c: {  	_ =	shalt  }
0x5d: {  	_ =	shalt  }
0x5e: {  	_ =	shalt  }
0x5f: {  	_ =	shalt  }
0x60: {  	_ =	shalt  }
0x61: {  	_ =	shalt  }
0x62: {  	_ =	shalt  }
0x63: {  	_ =	shalt  }
0x64: {  	_ =	shalt  }
0x65: {  	_ =	shalt  }
0x66: {  	_ =	shalt  }
0x67: {  	_ =	shalt  }
0x68: {  	_ =	shalt  }
0x69: {  	_ =	shalt  }
0x6a: {  	_ =	shalt  }
0x6b: {  	_ =	shalt  }
0x6c: {  	_ =	shalt  }
0x6d: {  	_ =	shalt  }
0x6e: {  	_ =	shalt  }
0x6f: {  	_ =	shalt  }
0x70: {  	_ =	shalt  }
0x71: {  	_ =	shalt  }
0x72: {  	_ =	shalt  }
0x73: {  	_ =	shalt  }
0x74: {  	_ =	shalt  }
0x75: {  	_ =	shalt  }
0x76: {  	_ =	shalt  }
0x77: {  	_ =	shalt  }
0x78: {  	_ =	shalt  }
0x79: {  	_ =	shalt  }
0x7a: {  	_ =	shalt  }
0x7b: {  	_ =	shalt  }
0x7c: {  	_ =	shalt  }
0x7d: {  	_ =	shalt  }
0x7e: {  	_ =	shalt  }
0x7f: {  	_ =	shalt  }
0x80: {  	_ =	shalt  }
0x81: {  	_ =	shalt  }
0x82: {  	_ =	shalt  }
0x83: {  	_ =	shalt  }
0x84: {  	_ =	shalt  }
0x85: {  	_ =	shalt  }
0x86: {  	_ =	shalt  }
0x87: {  	_ =	shalt  }
.Lfunc_end0:
.L_simem_size_0:
called_computation_lowered:
.L_overlay_start_0:
0x88: {  	s2 =	sld [smem:$0x3FD9]  }
0x89: {  	s3 =	sld [smem:$0x3FFE];
	_ =	sdelay $0x1  }
0x8a: {  	s1 =	srdreg.scid  }
0x8b: {  	s0 =	sand.u32 $0x1, s1  }
0x8c: {  	s17 =	sshll.u32 s0, $0xA;
	s2 =	sadd.s32 s3, s2  }
0x8d: {  	s2 =	sadd.s32 s2, s17  }
0x8e: {  	[smem:$0x3FC6] =	sst s2  }
0x8f: {  	_ = 	snop  }
0x90: {  	s2 =	sld [smem:$0x3FD0];
	(tm) =	ssettm $0x1  }
0x91: {  	s18 =	sld [smem:$0x3FFB];
	_ =	sdelay $0x3  }
0x92: {  	_ =	strace s18  }
0x93: {  	s3 =	sld [smem:$0x3FFC];
	_ =	sdelay $0x3  }
0x94: {  	_ =	strace s3  }
0x95: {  	s3 =	sld [smem:$0x3FFD];
	_ =	sdelay $0x3  }
0x96: {  	_ =	strace s3  }
0x97: {  	_ =	strace $0x8FFFFFFF  }
0x98: {  	s19 =	sld [smem:$0x3FDB];
	_ =	sdelay $0x1  }
0x99: {  	s4 =	simm.s32 $_scs_section_size  }
0x9a: {  	s5 =	simm.s32 $_size__tile_overlayer_lowered;
	s6 =	simm.s32 $_tile_overlayer_lowered  }
0x9b: {  	s22 =	simm.s32 $0x1BFF;
	s21 =	sshll.u32 s6, $0x1;
	s3 =	sadd.s32 s4, s19  }
0x9c: {  	s7 =	simm.s32 $0x0;
	s20 =	sshll.u32 s5, $0x1;
	s5 =	sadd.s32 s21, s3  }
0x9d: {  	[timem:s7], [sflag:s22] =	dma.local [hbm:s5], s20  }
0x9e: {  	_ =	swait.ge [sflag:s22], s20  }
0x9f: {  	s4 =	ssub.s32 $0x0, s20;
	[sflag:s22] =	ssyncset.done $0x0  }
0xa0: {  	[sflag:s22] =	ssyncadd.s32 s4;
	_ =	sdelay $0x1  }
0xa1: {  	s23 =	simm.s32 $0x1B8B  }
0xa2: {  	_ =	swait.ge [sflag:s23], $0x1  }
0xa3: {  	[sflag:s23] =	ssyncset.done $0x0  }
0xa4: {  	s25 =	simm.s32 $0x1B8E;
	s24 =	sld [smem:$0x3FFE];
	[sflag:s23] =	ssyncadd.s32 $0xFFFFFFFF  }
0xa5: {  	s26 =	simm.s32 $execute0_lowered;
	[smem:$0x3FD2] =	sst s25  }
0xa6: {  	s5 =	sshll.u32 s26, $0x1;
	_ =	strace $0x80000046;
	[dreg:$0x1] =	wrdreg $0xFFFFFFFF  }
0xa7: {  	s28 =	simm.s32 $_size_execute0_lowered;
	s3 =	sadd.s32 s3, s5;
	[dreg:$0x0] =	wrdreg $0x0  }
0xa8: {  	s5 =	sshll.u32 s28, $0x1;
	[dreg:$0x2] =	wrdreg s3  }
0xa9: {  	[dreg:$0x3] =	wrdreg s5  }
0xaa: {  	[dreg:$0x4] =	wrdreg $0xC0  }
0xab: {  	_ =	task [dreg:s7], $0x5FFFF  }
0xac: {  	[dreg:$0x1] =	wrdreg $0xFFFFFFFF  }
0xad: {  	[dreg:$0x0] =	wrdreg $0x60  }
0xae: {  	[dreg:$0x2] =	wrdreg s24  }
0xaf: {  	[dreg:$0x3] =	wrdreg s2  }
0xb0: {  	[dreg:$0x4] =	wrdreg $0x9  }
0xb1: {  	_ =	task.clear_ibuf [dreg:s7], $0x5FFFF;
	_ =	strace $0x90000046  }
0xb2: {  	s29 =	simm.s32 $0x9;
	_ =	strace $0x80000048  }
0xb3: {  	_ =	swait.ge [sflag:s29], $0x1  }
0xb4: {  	[sflag:s29] =	ssyncadd.s32 $0xFFFFFFFF  }
0xb5: {  	_ =	strace $0x90000048  }
0xb6: {  	_ =	sfence  }
0xb7: {  	s30 =	sld [smem:$0x0];
	_ =	sdelay $0x2  }
0xb8: {  	s31 =	sshll.u32 s1, $0xD;
	s1 =	sshrl.u32 s1, $0x2  }
0xb9: {  	s3 =	sand.u32 $0x4000, s31;
	s1 =	sadd.s32 s1, s30  }
0xba: {  	s0 =	sor.u32 s3, s0;
	s1 =	sshll.u32 s1, $0x11  }
0xbb: {  	s0 =	sor.u32 s1, s0  }
0xbc: {  	s0 =	sadd.s32 $0x8F2B, s0  }
0xbd: {  	[sflag:s0] =	ssyncadd.remote.s32 $0x1  }
0xbe: {  	_ =	sfence.sel $0xFFFF  }
0xbf: {  	[dreg:$0x0] =	wrdreg $0xFFFFFFFF;
	(pc) =	sbr.abs _section_cstart, $3  }
0xc0: {  	[dreg:$0x1] =	wrdreg $0xFFFFFFFF  }
0xc1: {  	_ =	task.clear_ibuf [dreg:s7], $0x2FFFF;
	_ =	strace $0x9FFFFFFF  }
0xc2: {  	(tm) =	ssettm $0x7FFFFFFF  }
0xc3: {  	_ =	shalt  }
tec
execute0_lowered:
.L_overlay_start_1:
0x0: {  	(tag) =	ssettag $0x1  }
0x1: {  	s5 =	rddreg [dreg:$0x0]  }
0x2: {  	s1 =	rddreg [dreg:$0x1]  }
0x3: {  	s0 =	rddreg [dreg:$0x2];
	s2 =	simm.s32 $0x0;
	s3 =	srdreg.scid  }
0x4: {  	v0 =	vlaneseq.u32;
	s10 =	simm.s32 $0x40;
	s11 =	simm.s32 $0x2;
	s12 =	simm.s32 $0x0  }
0x5: {  	[smem:$0x7FF] =	sst s2;
	s6 =	sand.u32 $0x1, s3;
	s4 =	sadd.s32 $0x600, s5;
	v0 =	vmul.u32 $0xC8, v0  }
0x6: {  	s3 =	stileid.u32;
	s5 =	sadd.s32 $0x400, s5;
	s7 =	ssub.s32 $0x2, s6  }
0x7: {  	s9 =	sshll.u32 s3, $0x3;
	s6 =	sshll.u32 s6, $0x2;
	s8 =	sshrl.u32 s7, $0x1;
	v1 =	vadd.s32 $0xC80, v0  }
0x8: {  	_ =	strace $0x80000047;
	s6 =	sor.u32 s6, s9;
	v2 =	vadd.s32 $0x1900, v0;
	v3 =	vadd.s32 $0x2580, v0;
	v4 =	vadd.s32 $0x3200, v0;
	s7 =	ssub.s32 s7, s8  }
0x9: {  	s9 =	simm.s32 $0x1;
	v5 =	vadd.s32 $0x3E80, v0;
	v6 =	vadd.s32 $0x4B00, v0;
	v7 =	vadd.s32 $0x5780, v0;
	s8 =	simm.s32 $0x3;
	s7 =	smax.u32 s7, $0x1  }
.LBB2_1:
0xa: {  	[tilespmem:s2], [sflag:$0x3] =	stream.linear.gather [hbm4b:s5+s2], $0x40, $0x38;
	[tilespmem:$0x12C40] =	vst v63  }
0xb: {  	_ =	swait.ge [sflag:s8], $0x40  }
0xc: {  	p0 =	por $0x0, $0x0;
	[sflag:s8] =	ssyncset.done $0x0  }
0xd: {  	s13 =	simm.s32 $0x0;
	s14 =	simm.s32 $0x0;
	[sflag:s8] =	ssyncadd.s32 $0xFFFFFFC0  }
.LBB2_2:
0xe: {  	s15 =	sshrl.u32 s14, $0x2;
	s16 =	sand.u32 $0x3, s14  }
0xf: {  	s15 =	sadd.s32 s6, s15;
	p1 =	sne.s32 s16, $0x0  }
0x10: {  	s17 =	sand.u32 $0x3, s13;
	s18 =	smul.u32 @!p1 $0xC80, s15  }
0x11: {  	s21 =	smul.u32 $0x32, s17  }
0x12: {  	s19 =	simm.s32 @!p1 $0x40;
	s17 =	sadd.s32 @!p1 s4, s18;
	s18 =	simm.s32 @!p1 $0x0  }
0x13: {  	[tilespmem:s19], [sflag:$0x3] =	stream.linear.gather @!p1 [hbm4b:s17+s18], $0x6400, $0x38;
	[tilespmem:$0x12C40] =	vst v63  }
0x14: {  	p2 =	slt.u32 s14, $0x2;
	s17 =	sand.u32 $0x1, s14;
	s18 =	simm.s32 @!p1 $0x3  }
0x15: {  	s24 =	sadd.s32 $0xFFFFFFFE, s21;
	_ =	swait.ge @!p1 [sflag:s18], $0x6400;
	p3 =	sne.s32 @!p2 s17, $0x0  }
0x16: {  	s20 =	sadd.s32 $0x3, s24;
	[sflag:s18] =	ssyncset.done @!p1 $0x0;
	p3 =	por p3, p2  }
0x17: {  	v8 =	vmov s20;
	[sflag:s18] =	ssyncadd.s32 @!p1 $0xFFFF9C00;
	s18 =	simm.s32 @!p3 $0x1  }
0x18: {  	v10 =	vand.u32 $0x1FF, v8;
	p1 =	seq.s32 s17, $0x1;
	_ =	swait.ge @!p3 [sflag:s18], $0x6400  }
0x19: {  	v8 =	vadd.s32 v0, v10;
	p2 =	por !p1, p2;
	[sflag:s18] =	ssyncset.done @!p3 $0x0  }
0x1a: {  	[sflag:s18] =	ssyncadd.s32 @!p3 $0xFFFF9C00;
	s18 =	simm.s32 @!p2 $0x2  }
0x1b: {  	_ =	swait.ge @!p2 [sflag:s18], $0x6400  }
0x1c: {  	[sflag:s18] =	ssyncset.done @!p2 $0x0  }
0x1d: {  	[sflag:s18] =	ssyncadd.s32 @!p2 $0xFFFF9C00  }
0x1e: {  	s25 =	sadd.s32 $0x2, s24;
	v8 =	vld.idx.msk [tilespmem:v8+s10+$0x0], $0xffff  }
0x1f: {  	v9 =	vmov s25  }
0x20: {  	v13 =	vand.u32 $0x1FE, v9  }
0x21: {  	v9 =	vadd.s32 v0, v13;
	_ =	sdelay $0x1  }
0x22: {  	v8 =	vshll.u32 v8, $0x3;
	_ =	sdelay $0x2  }
0x23: {  	v9 =	vld.idx.msk [tilespmem:v9+s10+$0x0], $0xffff  }
0x24: {  	s18 =	simm.s32 $0x1  }
0x25: {  	s18 =	simm.s32 @!p0 $0x0;
	v11 =	vld.idx.msk [tilespmem:v8+s2+$0x0], $0xffff  }
0x26: {  	s18 =	smul.u32 $0x19000, s18;
	v12 =	vor.u32 $0x1, v8;
	_ =	sdelay $0x1  }
0x27: {  	s18 =	sshrl.u32 s18, $0x2;
	v9 =	vshll.u32 v9, $0x3  }
0x28: {  	s18 =	sadd.s32 $0x6640, s18  }
0x29: {  	[tilespmem:s18+$0x0] =	vst v11  }
0x2a: {  	v11 =	vld.idx.msk [tilespmem:v12+s2+$0x0], $0xffff  }
0x2b: {  	v12 =	vor.u32 $0x2, v8  }
0x2c: {  	v14 =	vld.idx.msk [tilespmem:v9+s2+$0x0], $0xffff  }
0x2d: {  	v15 =	vor.u32 $0x1, v9;
	_ =	sdelay $0x1  }
0x2e: {  	[tilespmem:s18+$0x80] =	vst v11  }
0x2f: {  	v11 =	vld.idx.msk [tilespmem:v12+s2+$0x0], $0xffff  }
0x30: {  	[tilespmem:s18+$0xFFFFFE00] =	vst v14;
	v8 =	vor.u32 $0x3, v8  }
0x31: {  	v12 =	vld.idx.msk [tilespmem:v15+s2+$0x0], $0xffff  }
0x32: {  	v14 =	vor.u32 $0x2, v9;
	_ =	sdelay $0x1  }
0x33: {  	[tilespmem:s18+$0x100] =	vst v11  }
0x34: {  	v8 =	vld.idx.msk [tilespmem:v8+s2+$0x0], $0xffff  }
0x35: {  	[tilespmem:s18+$0xFFFFFE80] =	vst v12;
	v11 =	vadd.s32 v1, v10  }
0x36: {  	v12 =	vld.idx.msk [tilespmem:v14+s2+$0x0], $0xffff  }
0x37: {  	v9 =	vor.u32 $0x3, v9;
	_ =	sdelay $0x1  }
0x38: {  	[tilespmem:s18+$0x180] =	vst v8  }
0x39: {  	v8 =	vld.idx.msk [tilespmem:v11+s10+$0x0], $0xffff  }
0x3a: {  	[tilespmem:s18+$0xFFFFFF00] =	vst v12  }
0x3b: {  	v9 =	vld.idx.msk [tilespmem:v9+s2+$0x0], $0xffff  }
0x3c: {  	v11 =	vadd.s32 v1, v13;
	_ =	sdelay $0x1  }
0x3d: {  	v8 =	vshll.u32 v8, $0x3;
	_ =	sdelay $0x1  }
0x3e: {  	[tilespmem:s18+$0xFFFFFF80] =	vst v9  }
0x3f: {  	v9 =	vld.idx.msk [tilespmem:v11+s10+$0x0], $0xffff;
	_ =	sdelay $0x1  }
0x40: {  	v11 =	vld.idx.msk [tilespmem:v8+s2+$0x0], $0xffff  }
0x41: {  	v12 =	vor.u32 $0x1, v8;
	_ =	sdelay $0x1  }
0x42: {  	v9 =	vshll.u32 v9, $0x3;
	_ =	sdelay $0x1  }
0x43: {  	[tilespmem:s18+$0x10] =	vst v11  }
0x44: {  	v11 =	vld.idx.msk [tilespmem:v12+s2+$0x0], $0xffff  }
0x45: {  	v12 =	vor.u32 $0x2, v8  }
0x46: {  	v14 =	vld.idx.msk [tilespmem:v9+s2+$0x0], $0xffff  }
0x47: {  	v15 =	vor.u32 $0x1, v9;
	_ =	sdelay $0x1  }
0x48: {  	[tilespmem:s18+$0x90] =	vst v11  }
0x49: {  	v11 =	vld.idx.msk [tilespmem:v12+s2+$0x0], $0xffff  }
0x4a: {  	v8 =	vor.u32 $0x3, v8;
	[tilespmem:s18+$0xFFFFFE10] =	vst v14  }
0x4b: {  	v12 =	vld.idx.msk [tilespmem:v15+s2+$0x0], $0xffff  }
0x4c: {  	v14 =	vor.u32 $0x2, v9;
	_ =	sdelay $0x1  }
0x4d: {  	[tilespmem:s18+$0x110] =	vst v11  }
0x4e: {  	s26 =	sadd.s32 $0x0, s21;
	v8 =	vld.idx.msk [tilespmem:v8+s2+$0x0], $0xffff  }
0x4f: {  	s28 =	sadd.s32 $0x3, s26;
	[tilespmem:s18+$0xFFFFFE90] =	vst v12;
	v11 =	vadd.s32 v2, v10  }
0x50: {  	v12 =	vmov s28;
	v14 =	vld.idx.msk [tilespmem:v14+s2+$0x0], $0xffff  }
0x51: {  	v9 =	vor.u32 $0x3, v9;
	v12 =	vand.u32 $0x1FF, v12  }
0x52: {  	v15 =	vadd.s32 v0, v12  }
0x53: {  	s19 =	sadd.s32 $0x2, s26;
	[tilespmem:s18+$0x190] =	vst v8  }
0x54: {  	v8 =	vmov s19;
	v16 =	vld.idx.msk [tilespmem:v11+s10+$0x0], $0xffff  }
0x55: {  	[tilespmem:s18+$0xFFFFFF10] =	vst v14;
	v11 =	vand.u32 $0x1FE, v8  }
0x56: {  	v8 =	vld.idx.msk [tilespmem:v9+s2+$0x0], $0xffff;
	v9 =	vadd.s32 v0, v11  }
0x57: {  	v14 =	vadd.s32 v2, v13;
	v15 =	vld.idx.msk [tilespmem:v15+s10+$0x0], $0xffff;
	_ =	sdelay $0x1  }
0x58: {  	v16 =	vshll.u32 v16, $0x3;
	_ =	sdelay $0x1  }
0x59: {  	[tilespmem:s18+$0xFFFFFF90] =	vst v8;
	v8 =	vld.idx.msk [tilespmem:v9+s10+$0x0], $0xffff  }
0x5a: {  	v9 =	vld.idx.msk [tilespmem:v14+s10+$0x0], $0xffff;
	v14 =	vshll.u32 v15, $0x3;
	_ =	sdelay $0x1  }
0x5b: {  	v15 =	vld.idx.msk [tilespmem:v16+s2+$0x0], $0xffff  }
0x5c: {  	v17 =	vor.u32 $0x1, v16  }
0x5d: {  	v8 =	vshll.u32 v8, $0x3  }
0x5e: {  	v9 =	vshll.u32 v9, $0x3;
	v18 =	vld.idx.msk [tilespmem:v14+s2+$0x0], $0xffff  }
0x5f: {  	v19 =	vor.u32 $0x1, v14  }
0x60: {  	[tilespmem:s18+$0x20] =	vst v15  }
0x61: {  	v15 =	vld.idx.msk [tilespmem:v17+s2+$0x0], $0xffff  }
0x62: {  	s19 =	sadd.s32 $0x400, s18;
	v20 =	vor.u32 $0x2, v16;
	v17 =	vld.idx.msk [tilespmem:v8+s2+$0x0], $0xffff  }
0x63: {  	v21 =	vor.u32 $0x1, v8;
	v22 =	vld.idx.msk [tilespmem:v9+s2+$0x0], $0xffff;
	[tilespmem:s19+$0x0] =	vst v18  }
0x64: {  	v18 =	vor.u32 $0x1, v9;
	v19 =	vld.idx.msk [tilespmem:v19+s2+$0x0], $0xffff  }
0x65: {  	v23 =	vor.u32 $0x2, v14  }
0x66: {  	[tilespmem:s18+$0xA0] =	vst v15  }
0x67: {  	[tilespmem:s19+$0xFFFFFE00] =	vst v17;
	v15 =	vld.idx.msk [tilespmem:v20+s2+$0x0], $0xffff  }
0x68: {  	v16 =	vor.u32 $0x3, v16;
	[tilespmem:s18+$0xFFFFFE20] =	vst v22;
	v17 =	vld.idx.msk [tilespmem:v21+s2+$0x0], $0xffff  }
0x69: {  	v20 =	vor.u32 $0x2, v8;
	v18 =	vld.idx.msk [tilespmem:v18+s2+$0x0], $0xffff;
	[tilespmem:s19+$0x80] =	vst v19  }
0x6a: {  	v19 =	vor.u32 $0x2, v9;
	v21 =	vld.idx.msk [tilespmem:v23+s2+$0x0], $0xffff  }
0x6b: {  	v14 =	vor.u32 $0x3, v14  }
0x6c: {  	[tilespmem:s18+$0x120] =	vst v15  }
0x6d: {  	[tilespmem:s19+$0xFFFFFE80] =	vst v17;
	v15 =	vld.idx.msk [tilespmem:v16+s2+$0x0], $0xffff  }
0x6e: {  	[tilespmem:s18+$0xFFFFFEA0] =	vst v18;
	v17 =	vadd.s32 v3, v10;
	v16 =	vld.idx.msk [tilespmem:v20+s2+$0x0], $0xffff  }
0x6f: {  	v8 =	vor.u32 $0x3, v8;
	v18 =	vld.idx.msk [tilespmem:v19+s2+$0x0], $0xffff;
	[tilespmem:s19+$0x100] =	vst v21  }
0x70: {  	v9 =	vor.u32 $0x3, v9;
	v14 =	vld.idx.msk [tilespmem:v14+s2+$0x0], $0xffff  }
0x71: {  	v19 =	vadd.s32 v1, v12  }
0x72: {  	[tilespmem:s18+$0x1A0] =	vst v15  }
0x73: {  	[tilespmem:s19+$0xFFFFFF00] =	vst v16;
	v15 =	vld.idx.msk [tilespmem:v17+s10+$0x0], $0xffff  }
0x74: {  	[tilespmem:s18+$0xFFFFFF20] =	vst v18;
	v8 =	vld.idx.msk [tilespmem:v8+s2+$0x0], $0xffff  }
0x75: {  	v16 =	vadd.s32 v1, v11;
	v9 =	vld.idx.msk [tilespmem:v9+s2+$0x0], $0xffff;
	[tilespmem:s19+$0x180] =	vst v14  }
0x76: {  	v14 =	vadd.s32 v3, v13;
	v17 =	vld.idx.msk [tilespmem:v19+s10+$0x0], $0xffff;
	_ =	sdelay $0x1  }
0x77: {  	v15 =	vshll.u32 v15, $0x3  }
0x78: {  	[tilespmem:s19+$0xFFFFFF80] =	vst v8  }
0x79: {  	[tilespmem:s18+$0xFFFFFFA0] =	vst v9;
	v8 =	vld.idx.msk [tilespmem:v16+s10+$0x0], $0xffff  }
0x7a: {  	v9 =	vld.idx.msk [tilespmem:v14+s10+$0x0], $0xffff;
	v14 =	vshll.u32 v17, $0x3;
	_ =	sdelay $0x1  }
0x7b: {  	v16 =	vld.idx.msk [tilespmem:v15+s2+$0x0], $0xffff  }
0x7c: {  	v17 =	vor.u32 $0x1, v15  }
0x7d: {  	v8 =	vshll.u32 v8, $0x3  }
0x7e: {  	v18 =	vld.idx.msk [tilespmem:v14+s2+$0x0], $0xffff;
	v9 =	vshll.u32 v9, $0x3  }
0x7f: {  	v19 =	vor.u32 $0x1, v14  }
0x80: {  	[tilespmem:s18+$0x30] =	vst v16  }
0x81: {  	v16 =	vld.idx.msk [tilespmem:v17+s2+$0x0], $0xffff  }
0x82: {  	v20 =	vor.u32 $0x2, v15;
	v17 =	vld.idx.msk [tilespmem:v8+s2+$0x0], $0xffff  }
0x83: {  	v21 =	vor.u32 $0x1, v8;
	[tilespmem:s19+$0x10] =	vst v18;
	v18 =	vld.idx.msk [tilespmem:v9+s2+$0x0], $0xffff  }
0x84: {  	v22 =	vor.u32 $0x1, v9;
	v19 =	vld.idx.msk [tilespmem:v19+s2+$0x0], $0xffff  }
0x85: {  	v23 =	vor.u32 $0x2, v14  }
0x86: {  	[tilespmem:s18+$0xB0] =	vst v16  }
0x87: {  	[tilespmem:s19+$0xFFFFFE10] =	vst v17;
	v16 =	vld.idx.msk [tilespmem:v20+s2+$0x0], $0xffff  }
0x88: {  	v15 =	vor.u32 $0x3, v15;
	[tilespmem:s18+$0xFFFFFE30] =	vst v18;
	v17 =	vld.idx.msk [tilespmem:v21+s2+$0x0], $0xffff  }
0x89: {  	v18 =	vor.u32 $0x2, v8;
	[tilespmem:s19+$0x90] =	vst v19;
	v19 =	vld.idx.msk [tilespmem:v22+s2+$0x0], $0xffff  }
0x8a: {  	v20 =	vor.u32 $0x2, v9;
	v21 =	vld.idx.msk [tilespmem:v23+s2+$0x0], $0xffff  }
0x8b: {  	v14 =	vor.u32 $0x3, v14  }
0x8c: {  	[tilespmem:s18+$0x130] =	vst v16  }
0x8d: {  	[tilespmem:s19+$0xFFFFFE90] =	vst v17;
	v15 =	vld.idx.msk [tilespmem:v15+s2+$0x0], $0xffff  }
0x8e: {  	[tilespmem:s18+$0xFFFFFEB0] =	vst v19;
	v17 =	vadd.s32 v4, v10;
	v16 =	vld.idx.msk [tilespmem:v18+s2+$0x0], $0xffff  }
0x8f: {  	s29 =	sadd.s32 $0x2, s21;
	v18 =	vor.u32 $0x3, v8;
	[tilespmem:s19+$0x110] =	vst v21;
	v19 =	vld.idx.msk [tilespmem:v20+s2+$0x0], $0xffff  }
0x90: {  	s22 =	sadd.s32 $0x3, s29;
	v9 =	vor.u32 $0x3, v9;
	v20 =	vld.idx.msk [tilespmem:v14+s2+$0x0], $0xffff  }
0x91: {  	v21 =	vadd.s32 v2, v12;
	v8 =	vmov s22  }
0x92: {  	s20 =	sadd.s32 $0x2, s29;
	v8 =	vand.u32 $0x1FF, v8;
	[tilespmem:s18+$0x1B0] =	vst v15  }
0x93: {  	v14 =	vmov s20;
	[tilespmem:s19+$0xFFFFFF10] =	vst v16;
	v16 =	vadd.s32 v0, v8;
	v15 =	vld.idx.msk [tilespmem:v17+s10+$0x0], $0xffff  }
0x94: {  	v14 =	vand.u32 $0x1FE, v14;
	[tilespmem:s18+$0xFFFFFF30] =	vst v19;
	v17 =	vld.idx.msk [tilespmem:v18+s2+$0x0], $0xffff  }
0x95: {  	v18 =	vadd.s32 v0, v14;
	[tilespmem:s19+$0x190] =	vst v20;
	v9 =	vld.idx.msk [tilespmem:v9+s2+$0x0], $0xffff  }
0x96: {  	v19 =	vadd.s32 v2, v11;
	v20 =	vld.idx.msk [tilespmem:v21+s10+$0x0], $0xffff  }
0x97: {  	v21 =	vadd.s32 v4, v13  }
0x98: {  	v16 =	vld.idx.msk [tilespmem:v16+s10+$0x0], $0xffff;
	v15 =	vshll.u32 v15, $0x3;
	_ =	sdelay $0x1  }
0x99: {  	[tilespmem:s19+$0xFFFFFF90] =	vst v17;
	v17 =	vld.idx.msk [tilespmem:v18+s10+$0x0], $0xffff  }
0x9a: {  	[tilespmem:s18+$0xFFFFFFB0] =	vst v9;
	v9 =	vld.idx.msk [tilespmem:v19+s10+$0x0], $0xffff;
	v18 =	vshll.u32 v20, $0x3  }
0x9b: {  	v19 =	vld.idx.msk [tilespmem:v21+s10+$0x0], $0xffff  }
0x9c: {  	v16 =	vshll.u32 v16, $0x3;
	v20 =	vld.idx.msk [tilespmem:v15+s2+$0x0], $0xffff  }
0x9d: {  	v21 =	vor.u32 $0x1, v15  }
0x9e: {  	v17 =	vshll.u32 v17, $0x3  }
0x9f: {  	v22 =	vld.idx.msk [tilespmem:v18+s2+$0x0], $0xffff;
	v9 =	vshll.u32 v9, $0x3  }
0xa0: {  	v23 =	vor.u32 $0x1, v18  }
0xa1: {  	v19 =	vshll.u32 v19, $0x3;
	v24 =	vld.idx.msk [tilespmem:v16+s2+$0x0], $0xffff;
	[tilespmem:s18+$0x40] =	vst v20  }
0xa2: {  	v20 =	vld.idx.msk [tilespmem:v21+s2+$0x0], $0xffff;
	v21 =	vor.u32 $0x1, v16  }
0xa3: {  	v26 =	vor.u32 $0x2, v15;
	v25 =	vld.idx.msk [tilespmem:v17+s2+$0x0], $0xffff  }
0xa4: {  	v27 =	vor.u32 $0x1, v17;
	v28 =	vld.idx.msk [tilespmem:v9+s2+$0x0], $0xffff;
	[tilespmem:s19+$0x20] =	vst v22  }
0xa5: {  	s20 =	sadd.s32 $0x400, s19;
	v22 =	vor.u32 $0x1, v9;
	v23 =	vld.idx.msk [tilespmem:v23+s2+$0x0], $0xffff  }
0xa6: {  	v29 =	vld.idx.msk [tilespmem:v19+s2+$0x0], $0xffff;
	[tilespmem:s20+$0x0] =	vst v24;
	v24 =	vor.u32 $0x2, v18  }
0xa7: {  	v30 =	vor.u32 $0x1, v19;
	v21 =	vld.idx.msk [tilespmem:v21+s2+$0x0], $0xffff;
	[tilespmem:s18+$0xC0] =	vst v20  }
0xa8: {  	[tilespmem:s20+$0xFFFFFE00] =	vst v25;
	v25 =	vor.u32 $0x2, v16;
	v20 =	vld.idx.msk [tilespmem:v26+s2+$0x0], $0xffff  }
0xa9: {  	v15 =	vor.u32 $0x3, v15;
	[tilespmem:s19+$0xFFFFFE20] =	vst v28;
	v26 =	vld.idx.msk [tilespmem:v27+s2+$0x0], $0xffff  }
0xaa: {  	v27 =	vor.u32 $0x2, v17;
	v22 =	vld.idx.msk [tilespmem:v22+s2+$0x0], $0xffff;
	[tilespmem:s19+$0xA0] =	vst v23  }
0xab: {  	[tilespmem:s18+$0xFFFFFE40] =	vst v29;
	v23 =	vor.u32 $0x2, v9;
	v24 =	vld.idx.msk [tilespmem:v24+s2+$0x0], $0xffff  }
0xac: {  	v18 =	vor.u32 $0x3, v18;
	[tilespmem:s20+$0x80] =	vst v21;
	v21 =	vld.idx.msk [tilespmem:v30+s2+$0x0], $0xffff  }
0xad: {  	v28 =	vor.u32 $0x2, v19;
	v25 =	vld.idx.msk [tilespmem:v25+s2+$0x0], $0xffff;
	[tilespmem:s18+$0x140] =	vst v20  }
0xae: {  	v16 =	vor.u32 $0x3, v16;
	[tilespmem:s20+$0xFFFFFE80] =	vst v26;
	v15 =	vld.idx.msk [tilespmem:v15+s2+$0x0], $0xffff  }
0xaf: {  	[tilespmem:s19+$0xFFFFFEA0] =	vst v22;
	v22 =	vadd.s32 v5, v10;
	v20 =	vld.idx.msk [tilespmem:v27+s2+$0x0], $0xffff  }
0xb0: {  	v17 =	vor.u32 $0x3, v17;
	v23 =	vld.idx.msk [tilespmem:v23+s2+$0x0], $0xffff;
	[tilespmem:s19+$0x120] =	vst v24  }
0xb1: {  	v9 =	vor.u32 $0x3, v9;
	v18 =	vld.idx.msk [tilespmem:v18+s2+$0x0], $0xffff;
	[tilespmem:s18+$0xFFFFFEC0] =	vst v21  }
0xb2: {  	v21 =	vadd.s32 v3, v12;
	[tilespmem:s20+$0x100] =	vst v25;
	v24 =	vld.idx.msk [tilespmem:v28+s2+$0x0], $0xffff  }
0xb3: {  	v16 =	vld.idx.msk [tilespmem:v16+s2+$0x0], $0xffff;
	[tilespmem:s18+$0x1C0] =	vst v15  }
0xb4: {  	[tilespmem:s20+$0xFFFFFF00] =	vst v20;
	v20 =	vadd.s32 v1, v8;
	v15 =	vld.idx.msk [tilespmem:v22+s10+$0x0], $0xffff  }
0xb5: {  	v19 =	vor.u32 $0x3, v19;
	[tilespmem:s19+$0xFFFFFF20] =	vst v23;
	v17 =	vld.idx.msk [tilespmem:v17+s2+$0x0], $0xffff  }
0xb6: {  	v9 =	vld.idx.msk [tilespmem:v9+s2+$0x0], $0xffff;
	[tilespmem:s19+$0x1A0] =	vst v18  }
0xb7: {  	v18 =	vadd.s32 v1, v14;
	v21 =	vld.idx.msk [tilespmem:v21+s10+$0x0], $0xffff  }
0xb8: {  	v22 =	vadd.s32 v3, v11;
	[tilespmem:s20+$0x180] =	vst v16  }
0xb9: {  	[tilespmem:s18+$0xFFFFFF40] =	vst v24;
	v16 =	vld.idx.msk [tilespmem:v20+s10+$0x0], $0xffff;
	v15 =	vshll.u32 v15, $0x3  }
0xba: {  	v19 =	vld.idx.msk [tilespmem:v19+s2+$0x0], $0xffff  }
0xbb: {  	v20 =	vadd.s32 v5, v13;
	[tilespmem:s20+$0xFFFFFF80] =	vst v17  }
0xbc: {  	[tilespmem:s19+$0xFFFFFFA0] =	vst v9;
	v9 =	vld.idx.msk [tilespmem:v18+s10+$0x0], $0xffff;
	v17 =	vshll.u32 v21, $0x3  }
0xbd: {  	v18 =	vld.idx.msk [tilespmem:v22+s10+$0x0], $0xffff  }
0xbe: {  	v21 =	vld.idx.msk [tilespmem:v15+s2+$0x0], $0xffff;
	v16 =	vshll.u32 v16, $0x3  }
0xbf: {  	[tilespmem:s18+$0xFFFFFFC0] =	vst v19;
	v19 =	vor.u32 $0x1, v15  }
0xc0: {  	v20 =	vld.idx.msk [tilespmem:v20+s10+$0x0], $0xffff  }
0xc1: {  	v9 =	vshll.u32 v9, $0x3;
	v22 =	vld.idx.msk [tilespmem:v17+s2+$0x0], $0xffff  }
0xc2: {  	v23 =	vor.u32 $0x1, v17  }
0xc3: {  	v18 =	vshll.u32 v18, $0x3;
	v24 =	vld.idx.msk [tilespmem:v16+s2+$0x0], $0xffff;
	[tilespmem:s18+$0x50] =	vst v21  }
0xc4: {  	v21 =	vor.u32 $0x1, v16;
	v19 =	vld.idx.msk [tilespmem:v19+s2+$0x0], $0xffff  }
0xc5: {  	v25 =	vor.u32 $0x2, v15  }
0xc6: {  	v20 =	vshll.u32 v20, $0x3;
	v26 =	vld.idx.msk [tilespmem:v9+s2+$0x0], $0xffff;
	[tilespmem:s19+$0x30] =	vst v22  }
0xc7: {  	v22 =	vor.u32 $0x1, v9;
	v23 =	vld.idx.msk [tilespmem:v23+s2+$0x0], $0xffff  }
0xc8: {  	v27 =	vor.u32 $0x2, v17;
	[tilespmem:s20+$0x10] =	vst v24;
	v24 =	vld.idx.msk [tilespmem:v18+s2+$0x0], $0xffff  }
0xc9: {  	v28 =	vor.u32 $0x1, v18;
	v21 =	vld.idx.msk [tilespmem:v21+s2+$0x0], $0xffff;
	[tilespmem:s18+$0xD0] =	vst v19  }
0xca: {  	v19 =	vld.idx.msk [tilespmem:v25+s2+$0x0], $0xffff;
	v25 =	vor.u32 $0x2, v16  }
0xcb: {  	v15 =	vor.u32 $0x3, v15;
	[tilespmem:s20+$0xFFFFFE10] =	vst v26;
	v26 =	vld.idx.msk [tilespmem:v20+s2+$0x0], $0xffff  }
0xcc: {  	v29 =	vor.u32 $0x1, v20;
	v22 =	vld.idx.msk [tilespmem:v22+s2+$0x0], $0xffff;
	[tilespmem:s19+$0xB0] =	vst v23  }
0xcd: {  	v23 =	vor.u32 $0x2, v9;
	v27 =	vld.idx.msk [tilespmem:v27+s2+$0x0], $0xffff;
	[tilespmem:s19+$0xFFFFFE30] =	vst v24  }
0xce: {  	v17 =	vor.u32 $0x3, v17;
	[tilespmem:s20+$0x90] =	vst v21;
	v21 =	vld.idx.msk [tilespmem:v28+s2+$0x0], $0xffff  }
0xcf: {  	v24 =	vor.u32 $0x2, v18;
	v25 =	vld.idx.msk [tilespmem:v25+s2+$0x0], $0xffff;
	[tilespmem:s18+$0x150] =	vst v19  }
0xd0: {  	v16 =	vor.u32 $0x3, v16;
	[tilespmem:s18+$0xFFFFFE50] =	vst v26;
	v15 =	vld.idx.msk [tilespmem:v15+s2+$0x0], $0xffff  }
0xd1: {  	[tilespmem:s20+$0xFFFFFE90] =	vst v22;
	v19 =	vld.idx.msk [tilespmem:v29+s2+$0x0], $0xffff;
	v22 =	vadd.s32 v6, v10  }
0xd2: {  	v23 =	vld.idx.msk [tilespmem:v23+s2+$0x0], $0xffff;
	[tilespmem:s19+$0x130] =	vst v27  }
0xd3: {  	v26 =	vor.u32 $0x2, v20;
	v17 =	vld.idx.msk [tilespmem:v17+s2+$0x0], $0xffff;
	[tilespmem:s19+$0xFFFFFEB0] =	vst v21  }
0xd4: {  	s30 =	sadd.s32 $0x4, s21;
	[tilespmem:s20+$0x110] =	vst v25;
	v21 =	vld.idx.msk [tilespmem:v24+s2+$0x0], $0xffff;
	v24 =	vadd.s32 v4, v12  }
0xd5: {  	s23 =	sadd.s32 $0x3, s30;
	v25 =	vor.u32 $0x3, v9;
	v16 =	vld.idx.msk [tilespmem:v16+s2+$0x0], $0xffff;
	[tilespmem:s18+$0x1D0] =	vst v15  }
0xd6: {  	[tilespmem:s18+$0xFFFFFED0] =	vst v19;
	v9 =	vmov s23;
	v15 =	vor.u32 $0x3, v18;
	v19 =	vld.idx.msk [tilespmem:v22+s10+$0x0], $0xffff  }
0xd7: {  	s22 =	sadd.s32 $0x2, s30;
	v9 =	vand.u32 $0x1FF, v9;
	[tilespmem:s20+$0xFFFFFF10] =	vst v23;
	v22 =	vadd.s32 v2, v8  }
0xd8: {  	v26 =	vld.idx.msk [tilespmem:v26+s2+$0x0], $0xffff;
	v18 =	vmov s22;
	v23 =	vadd.s32 v0, v9;
	[tilespmem:s19+$0x1B0] =	vst v17  }
0xd9: {  	v20 =	vor.u32 $0x3, v20;
	v18 =	vand.u32 $0x1FE, v18;
	v17 =	vld.idx.msk [tilespmem:v24+s10+$0x0], $0xffff  }
0xda: {  	v24 =	vld.idx.msk [tilespmem:v25+s2+$0x0], $0xffff;
	v25 =	vadd.s32 v0, v18;
	[tilespmem:s19+$0xFFFFFF30] =	vst v21  }
0xdb: {  	[tilespmem:s20+$0x190] =	vst v16;
	v15 =	vld.idx.msk [tilespmem:v15+s2+$0x0], $0xffff;
	v16 =	vshll.u32 v19, $0x3  }
0xdc: {  	v19 =	vadd.s32 v2, v14;
	v21 =	vld.idx.msk [tilespmem:v22+s10+$0x0], $0xffff  }
0xdd: {  	[tilespmem:s18+$0xFFFFFF50] =	vst v26;
	v22 =	vld.idx.msk [tilespmem:v23+s10+$0x0], $0xffff;
	v23 =	vadd.s32 v4, v11  }
0xde: {  	v20 =	vld.idx.msk [tilespmem:v20+s2+$0x0], $0xffff  }
0xdf: {  	v17 =	vshll.u32 v17, $0x3;
	v25 =	vld.idx.msk [tilespmem:v25+s10+$0x0], $0xffff  }
0xe0: {  	v26 =	vadd.s32 v6, v13;
	[tilespmem:s20+$0xFFFFFF90] =	vst v24;
	v24 =	vld.idx.msk [tilespmem:v16+s2+$0x0], $0xffff  }
0xe1: {  	[tilespmem:s19+$0xFFFFFFB0] =	vst v15;
	v19 =	vld.idx.msk [tilespmem:v19+s10+$0x0], $0xffff;
	v21 =	vshll.u32 v21, $0x3  }
0xe2: {  	v22 =	vshll.u32 v22, $0x3;
	v23 =	vld.idx.msk [tilespmem:v23+s10+$0x0], $0xffff  }
0xe3: {  	v27 =	vor.u32 $0x1, v16  }
0xe4: {  	[tilespmem:s18+$0xFFFFFFD0] =	vst v20;
	v15 =	vld.idx.msk [tilespmem:v17+s2+$0x0], $0xffff;
	v25 =	vshll.u32 v25, $0x3  }
0xe5: {  	v20 =	vor.u32 $0x1, v17;
	v26 =	vld.idx.msk [tilespmem:v26+s10+$0x0], $0xffff  }
0xe6: {  	v28 =	vld.idx.msk [tilespmem:v21+s2+$0x0], $0xffff;
	v19 =	vshll.u32 v19, $0x3  }
0xe7: {  	[tilespmem:s18+$0x60] =	vst v24;
	v29 =	vld.idx.msk [tilespmem:v22+s2+$0x0], $0xffff;
	v23 =	vshll.u32 v23, $0x3  }
0xe8: {  	v24 =	vld.idx.msk [tilespmem:v27+s2+$0x0], $0xffff;
	v27 =	vor.u32 $0x1, v21  }
0xe9: {  	[tilespmem:s19+$0x40] =	vst v15;
	v15 =	vor.u32 $0x2, v16;
	v30 =	vld.idx.msk [tilespmem:v25+s2+$0x0], $0xffff  }
0xea: {  	v31 =	vor.u32 $0x1, v22;
	v20 =	vld.idx.msk [tilespmem:v20+s2+$0x0], $0xffff  }
0xeb: {  	v33 =	vor.u32 $0x1, v25;
	v32 =	vld.idx.msk [tilespmem:v19+s2+$0x0], $0xffff  }
0xec: {  	[tilespmem:s20+$0x20] =	vst v28;
	v28 =	vor.u32 $0x2, v17;
	v34 =	vld.idx.msk [tilespmem:v23+s2+$0x0], $0xffff  }
0xed: {  	s22 =	sadd.s32 $0x400, s20;
	v27 =	vld.idx.msk [tilespmem:v27+s2+$0x0], $0xffff;
	[tilespmem:s18+$0xE0] =	vst v24;
	v24 =	vor.u32 $0x1, v19  }
0xee: {  	[tilespmem:s22+$0x0] =	vst v29;
	v29 =	vor.u32 $0x2, v21;
	v15 =	vld.idx.msk [tilespmem:v15+s2+$0x0], $0xffff  }
0xef: {  	v16 =	vor.u32 $0x3, v16;
	v31 =	vld.idx.msk [tilespmem:v31+s2+$0x0], $0xffff;
	[tilespmem:s22+$0xFFFFFE00] =	vst v30  }
0xf0: {  	v51 =	vor.u32 $0x2, v22;
	[tilespmem:s19+$0xC0] =	vst v20;
	v30 =	vld.idx.msk [tilespmem:v33+s2+$0x0], $0xffff  }
0xf1: {  	v20 =	vor.u32 $0x1, v23;
	v28 =	vld.idx.msk [tilespmem:v28+s2+$0x0], $0xffff;
	[tilespmem:s20+$0xFFFFFE20] =	vst v32  }
0xf2: {  	v17 =	vor.u32 $0x3, v17;
	v24 =	vld.idx.msk [tilespmem:v24+s2+$0x0], $0xffff;
	[tilespmem:s20+$0xA0] =	vst v27  }
0xf3: {  	v27 =	vor.u32 $0x2, v25;
	v29 =	vld.idx.msk [tilespmem:v29+s2+$0x0], $0xffff;
	[tilespmem:s18+$0x160] =	vst v15  }
0xf4: {  	[tilespmem:s22+$0x80] =	vst v31;
	v15 =	vld.idx.msk [tilespmem:v16+s2+$0x0], $0xffff;
	v16 =	vor.u32 $0x3, v21  }
0xf5: {  	[tilespmem:s19+$0xFFFFFE40] =	vst v34;
	v31 =	vld.idx.msk [tilespmem:v51+s2+$0x0], $0xffff;
	v21 =	vor.u32 $0x2, v19  }
0xf6: {  	v10 =	vadd.s32 v7, v10;
	v20 =	vld.idx.msk [tilespmem:v20+s2+$0x0], $0xffff;
	[tilespmem:s19+$0x140] =	vst v28  }
0xf7: {  	[tilespmem:s22+$0xFFFFFE80] =	vst v30;
	v28 =	vor.u32 $0x2, v23;
	v17 =	vld.idx.msk [tilespmem:v17+s2+$0x0], $0xffff  }
0xf8: {  	v22 =	vor.u32 $0x3, v22;
	v27 =	vld.idx.msk [tilespmem:v27+s2+$0x0], $0xffff;
	[tilespmem:s20+$0x120] =	vst v29  }
0xf9: {  	[tilespmem:s20+$0xFFFFFEA0] =	vst v24;
	v29 =	vadd.s32 v5, v12;
	v16 =	vld.idx.msk [tilespmem:v16+s2+$0x0], $0xffff  }
0xfa: {  	[tilespmem:s18+$0x1E0] =	vst v15;
	v15 =	vor.u32 $0x3, v25;
	v21 =	vld.idx.msk [tilespmem:v21+s2+$0x0], $0xffff  }
0xfb: {  	[tilespmem:s19+$0xFFFFFEC0] =	vst v20;
	v20 =	vadd.s32 v3, v8;
	v10 =	vld.idx.msk [tilespmem:v10+s10+$0x0], $0xffff  }
0xfc: {  	v19 =	vor.u32 $0x3, v19;
	[tilespmem:s22+$0x100] =	vst v31;
	v24 =	vld.idx.msk [tilespmem:v28+s2+$0x0], $0xffff  }
0xfd: {  	v23 =	vor.u32 $0x3, v23;
	v22 =	vld.idx.msk [tilespmem:v22+s2+$0x0], $0xffff;
	[tilespmem:s19+$0x1C0] =	vst v17  }
0xfe: {  	v25 =	vadd.s32 v1, v9;
	[tilespmem:s22+$0xFFFFFF00] =	vst v27;
	v17 =	vld.idx.msk [tilespmem:v29+s10+$0x0], $0xffff  }
0xff: {  	v15 =	vld.idx.msk [tilespmem:v15+s2+$0x0], $0xffff;
	[tilespmem:s20+$0x1A0] =	vst v16  }
0x100: {  	[tilespmem:s20+$0xFFFFFF20] =	vst v21;
	v10 =	vshll.u32 v10, $0x3;
	v20 =	vld.idx.msk [tilespmem:v20+s10+$0x0], $0xffff  }
0x101: {  	v16 =	vadd.s32 v1, v18;
	v19 =	vld.idx.msk [tilespmem:v19+s2+$0x0], $0xffff;
	[tilespmem:s19+$0xFFFFFF40] =	vst v24  }
0x102: {  	[tilespmem:s22+$0x180] =	vst v22;
	v21 =	vshll.u32 v26, $0x3;
	v22 =	vld.idx.msk [tilespmem:v23+s2+$0x0], $0xffff  }
0x103: {  	v24 =	vadd.s32 v3, v14;
	v23 =	vld.idx.msk [tilespmem:v25+s10+$0x0], $0xffff  }
0x104: {  	v17 =	vshll.u32 v17, $0x3  }
0x105: {  	v25 =	vadd.s32 v5, v11;
	[tilespmem:s22+$0xFFFFFF80] =	vst v15;
	v15 =	vld.idx.msk [tilespmem:v10+s2+$0x0], $0xffff  }
0x106: {  	v16 =	vld.idx.msk [tilespmem:v16+s10+$0x0], $0xffff;
	v20 =	vshll.u32 v20, $0x3  }
0x107: {  	v26 =	vld.idx.msk [tilespmem:v21+s2+$0x0], $0xffff;
	[tilespmem:s20+$0xFFFFFFA0] =	vst v19;
	v19 =	vor.u32 $0x1, v10  }
0x108: {  	v24 =	vld.idx.msk [tilespmem:v24+s10+$0x0], $0xffff;
	v23 =	vshll.u32 v23, $0x3  }
0x109: {  	v27 =	vor.u32 $0x1, v21;
	[tilespmem:s19+$0xFFFFFFC0] =	vst v22;
	v22 =	vld.idx.msk [tilespmem:v17+s2+$0x0], $0xffff  }
0x10a: {  	v28 =	vor.u32 $0x1, v17;
	v25 =	vld.idx.msk [tilespmem:v25+s10+$0x0], $0xffff  }
0x10b: {  	v29 =	vld.idx.msk [tilespmem:v20+s2+$0x0], $0xffff;
	[tilespmem:s18+$0x70] =	vst v15;
	v16 =	vshll.u32 v16, $0x3  }
0x10c: {  	v15 =	vld.idx.msk [tilespmem:v19+s2+$0x0], $0xffff;
	v19 =	vor.u32 $0x1, v20  }
0x10d: {  	[tilespmem:s18+$0xFFFFFE60] =	vst v26;
	v30 =	vld.idx.msk [tilespmem:v23+s2+$0x0], $0xffff;
	v24 =	vshll.u32 v24, $0x3  }
0x10e: {  	v26 =	vld.idx.msk [tilespmem:v27+s2+$0x0], $0xffff;
	v27 =	vor.u32 $0x2, v10;
	[tilespmem:s19+$0x50] =	vst v22  }
0x10f: {  	v25 =	vshll.u32 v25, $0x3;
	v22 =	vld.idx.msk [tilespmem:v28+s2+$0x0], $0xffff  }
0x110: {  	v28 =	vor.u32 $0x1, v23;
	v31 =	vld.idx.msk [tilespmem:v16+s2+$0x0], $0xffff;
	[tilespmem:s20+$0x30] =	vst v29  }
0x111: {  	v29 =	vor.u32 $0x2, v17;
	v19 =	vld.idx.msk [tilespmem:v19+s2+$0x0], $0xffff;
	[tilespmem:s18+$0xF0] =	vst v15  }
0x112: {  	v15 =	vor.u32 $0x1, v16;
	[tilespmem:s22+$0x10] =	vst v30;
	v30 =	vld.idx.msk [tilespmem:v24+s2+$0x0], $0xffff  }
0x113: {  	v52 =	vor.u32 $0x2, v20;
	v27 =	vld.idx.msk [tilespmem:v27+s2+$0x0], $0xffff  }
0x114: {  	v10 =	vor.u32 $0x3, v10;
	v53 =	vld.idx.msk [tilespmem:v25+s2+$0x0], $0xffff  }
0x115: {  	v28 =	vld.idx.msk [tilespmem:v28+s2+$0x0], $0xffff;
	[tilespmem:s19+$0xD0] =	vst v22;
	v22 =	vor.u32 $0x1, v24  }
0x116: {  	v29 =	vld.idx.msk [tilespmem:v29+s2+$0x0], $0xffff;
	[tilespmem:s22+$0xFFFFFE10] =	vst v31;
	v31 =	vor.u32 $0x2, v23  }
0x117: {  	v17 =	vor.u32 $0x3, v17;
	v54 =	vld.idx.msk [tilespmem:v15+s2+$0x0], $0xffff;
	[tilespmem:s20+$0xB0] =	vst v19  }
0x118: {  	v19 =	vor.u32 $0x1, v25;
	v32 =	vld.idx.msk [tilespmem:v52+s2+$0x0], $0xffff;
	[tilespmem:s18+$0x170] =	vst v27  }
0x119: {  	[tilespmem:s20+$0xFFFFFE30] =	vst v30;
	v27 =	vor.u32 $0x2, v16;
	v15 =	vld.idx.msk [tilespmem:v10+s2+$0x0], $0xffff  }
0x11a: {  	v20 =	vor.u32 $0x3, v20;
	[tilespmem:s22+$0x90] =	vst v28;
	v10 =	vld.idx.msk [tilespmem:v22+s2+$0x0], $0xffff  }
0x11b: {  	v22 =	vor.u32 $0x2, v21;
	v28 =	vld.idx.msk [tilespmem:v31+s2+$0x0], $0xffff;
	[tilespmem:s19+$0x150] =	vst v29  }
0x11c: {  	[tilespmem:s19+$0xFFFFFE50] =	vst v53;
	v29 =	vor.u32 $0x2, v24;
	v17 =	vld.idx.msk [tilespmem:v17+s2+$0x0], $0xffff  }
0x11d: {  	v23 =	vor.u32 $0x3, v23;
	[tilespmem:s22+$0xFFFFFE90] =	vst v54;
	v19 =	vld.idx.msk [tilespmem:v19+s2+$0x0], $0xffff  }
0x11e: {  	v30 =	vadd.s32 v6, v12;
	v27 =	vld.idx.msk [tilespmem:v27+s2+$0x0], $0xffff;
	[tilespmem:s20+$0x130] =	vst v32  }
0x11f: {  	[tilespmem:s18+$0xFFFFFEE0] =	vst v26;
	v26 =	vor.u32 $0x2, v25;
	v20 =	vld.idx.msk [tilespmem:v20+s2+$0x0], $0xffff  }
0x120: {  	v16 =	vor.u32 $0x3, v16;
	[tilespmem:s20+$0xFFFFFEB0] =	vst v10;
	v22 =	vld.idx.msk [tilespmem:v22+s2+$0x0], $0xffff  }
0x121: {  	s31 =	sadd.s32 $0x6, s21;
	v21 =	vor.u32 $0x3, v21;
	[tilespmem:s22+$0x110] =	vst v28;
	v28 =	vld.idx.msk [tilespmem:v29+s2+$0x0], $0xffff  }
0x122: {  	s24 =	sadd.s32 $0x3, s31;
	v29 =	vadd.s32 v4, v8;
	v23 =	vld.idx.msk [tilespmem:v23+s2+$0x0], $0xffff;
	[tilespmem:s19+$0x1D0] =	vst v17  }
0x123: {  	v24 =	vor.u32 $0x3, v24;
	v10 =	vmov s24;
	[tilespmem:s19+$0xFFFFFED0] =	vst v19;
	v17 =	vld.idx.msk [tilespmem:v30+s10+$0x0], $0xffff  }
0x124: {  	s23 =	sadd.s32 $0x2, s31;
	v10 =	vand.u32 $0x1FF, v10;
	v30 =	vadd.s32 v2, v9;
	[tilespmem:s22+$0xFFFFFF10] =	vst v27;
	v26 =	vld.idx.msk [tilespmem:v26+s2+$0x0], $0xffff  }
0x125: {  	v19 =	vmov s23;
	v27 =	vadd.s32 v0, v10;
	v16 =	vld.idx.msk [tilespmem:v16+s2+$0x0], $0xffff;
	[tilespmem:s18+$0xFFFFFF60] =	vst v22  }
0x126: {  	v25 =	vor.u32 $0x3, v25;
	v19 =	vand.u32 $0x1FE, v19;
	[tilespmem:s20+$0x1B0] =	vst v20;
	v21 =	vld.idx.msk [tilespmem:v21+s2+$0x0], $0xffff  }
0x127: {  	v20 =	vld.idx.msk [tilespmem:v29+s10+$0x0], $0xffff;
	[tilespmem:s20+$0xFFFFFF30] =	vst v28;
	v28 =	vadd.s32 v0, v19  }
0x128: {  	[tilespmem:s22+$0x190] =	vst v23;
	v23 =	vld.idx.msk [tilespmem:v24+s2+$0x0], $0xffff;
	v24 =	vadd.s32 v2, v18  }
0x129: {  	v22 =	vld.idx.msk [tilespmem:v30+s10+$0x0], $0xffff;
	v17 =	vshll.u32 v17, $0x3  }
0x12a: {  	[tilespmem:s19+$0xFFFFFF50] =	vst v26;
	v26 =	vadd.s32 v4, v14;
	v27 =	vld.idx.msk [tilespmem:v27+s10+$0x0], $0xffff  }
0x12b: {  	v13 =	vadd.s32 v7, v13;
	v25 =	vld.idx.msk [tilespmem:v25+s2+$0x0], $0xffff  }
0x12c: {  	[tilespmem:s22+$0xFFFFFF90] =	vst v16;
	v20 =	vshll.u32 v20, $0x3;
	v28 =	vld.idx.msk [tilespmem:v28+s10+$0x0], $0xffff  }
0x12d: {  	v29 =	vadd.s32 v6, v11;
	[tilespmem:s20+$0xFFFFFFB0] =	vst v23;
	v23 =	vld.idx.msk [tilespmem:v24+s10+$0x0], $0xffff  }
0x12e: {  	v16 =	vld.idx.msk [tilespmem:v17+s2+$0x0], $0xffff;
	v22 =	vshll.u32 v22, $0x3  }
0x12f: {  	[tilespmem:s18+$0xFFFFFFE0] =	vst v21;
	v24 =	vld.idx.msk [tilespmem:v26+s10+$0x0], $0xffff;
	v26 =	vor.u32 $0x1, v17  }
0x130: {  	v13 =	vld.idx.msk [tilespmem:v13+s10+$0x0], $0xffff;
	[tilespmem:s19+$0xFFFFFFD0] =	vst v25;
	v25 =	vshll.u32 v27, $0x3  }
0x131: {  	v30 =	vld.idx.msk [tilespmem:v20+s2+$0x0], $0xffff;
	v28 =	vshll.u32 v28, $0x3  }
0x132: {  	v27 =	vor.u32 $0x1, v20;
	v21 =	vld.idx.msk [tilespmem:v29+s10+$0x0], $0xffff  }
0x133: {  	v29 =	vld.idx.msk [tilespmem:v22+s2+$0x0], $0xffff;
	[tilespmem:s19+$0x60] =	vst v16;
	v16 =	vshll.u32 v23, $0x3  }
0x134: {  	v24 =	vshll.u32 v24, $0x3;
	v23 =	vld.idx.msk [tilespmem:v26+s2+$0x0], $0xffff  }
0x135: {  	v26 =	vor.u32 $0x1, v22;
	v31 =	vld.idx.msk [tilespmem:v25+s2+$0x0], $0xffff  }
0x136: {  	v56 =	vor.u32 $0x1, v25;
	[tilespmem:s20+$0x40] =	vst v30;
	v55 =	vld.idx.msk [tilespmem:v28+s2+$0x0], $0xffff  }
0x137: {  	v30 =	vor.u32 $0x2, v17;
	v27 =	vld.idx.msk [tilespmem:v27+s2+$0x0], $0xffff  }
0x138: {  	v35 =	vor.u32 $0x1, v28;
	v34 =	vld.idx.msk [tilespmem:v16+s2+$0x0], $0xffff;
	[tilespmem:s22+$0x20] =	vst v29  }
0x139: {  	s24 =	sadd.s32 $0x400, s22;
	v29 =	vor.u32 $0x2, v20;
	v36 =	vld.idx.msk [tilespmem:v24+s2+$0x0], $0xffff;
	[tilespmem:s19+$0xE0] =	vst v23  }
0x13a: {  	v26 =	vld.idx.msk [tilespmem:v26+s2+$0x0], $0xffff;
	v23 =	vor.u32 $0x1, v16;
	[tilespmem:s24+$0x0] =	vst v31  }
0x13b: {  	v31 =	vor.u32 $0x2, v22;
	v33 =	vld.idx.msk [tilespmem:v56+s2+$0x0], $0xffff  }
0x13c: {  	v57 =	vor.u32 $0x2, v25;
	v30 =	vld.idx.msk [tilespmem:v30+s2+$0x0], $0xffff;
	[tilespmem:s24+$0xFFFFFE00] =	vst v55  }
0x13d: {  	v17 =	vor.u32 $0x3, v17;
	[tilespmem:s20+$0xC0] =	vst v27;
	v32 =	vld.idx.msk [tilespmem:v35+s2+$0x0], $0xffff  }
0x13e: {  	v27 =	vor.u32 $0x1, v24;
	v29 =	vld.idx.msk [tilespmem:v29+s2+$0x0], $0xffff;
	[tilespmem:s22+$0xFFFFFE20] =	vst v34  }
0x13f: {  	v20 =	vor.u32 $0x3, v20;
	v23 =	vld.idx.msk [tilespmem:v23+s2+$0x0], $0xffff;
	[tilespmem:s22+$0xA0] =	vst v26  }
0x140: {  	v26 =	vor.u32 $0x2, v28;
	v31 =	vld.idx.msk [tilespmem:v31+s2+$0x0], $0xffff;
	[tilespmem:s24+$0x80] =	vst v33  }
0x141: {  	[tilespmem:s19+$0x160] =	vst v30;
	v30 =	vor.u32 $0x2, v16;
	v33 =	vld.idx.msk [tilespmem:v57+s2+$0x0], $0xffff  }
0x142: {  	v22 =	vor.u32 $0x3, v22;
	[tilespmem:s20+$0xFFFFFE40] =	vst v36;
	v17 =	vld.idx.msk [tilespmem:v17+s2+$0x0], $0xffff  }
0x143: {  	v12 =	vadd.s32 v7, v12;
	v27 =	vld.idx.msk [tilespmem:v27+s2+$0x0], $0xffff;
	[tilespmem:s20+$0x140] =	vst v29  }
0x144: {  	[tilespmem:s24+$0xFFFFFE80] =	vst v32;
	v29 =	vor.u32 $0x2, v24;
	v20 =	vld.idx.msk [tilespmem:v20+s2+$0x0], $0xffff  }
0x145: {  	v25 =	vor.u32 $0x3, v25;
	v26 =	vld.idx.msk [tilespmem:v26+s2+$0x0], $0xffff;
	[tilespmem:s22+$0xFFFFFEA0] =	vst v23  }
0x146: {  	v28 =	vor.u32 $0x3, v28;
	[tilespmem:s22+$0x120] =	vst v31;
	v23 =	vld.idx.msk [tilespmem:v30+s2+$0x0], $0xffff  }
0x147: {  	v13 =	vshll.u32 v13, $0x3;
	v22 =	vld.idx.msk [tilespmem:v22+s2+$0x0], $0xffff;
	[tilespmem:s19+$0x1E0] =	vst v17  }
0x148: {  	v30 =	vadd.s32 v5, v8;
	[tilespmem:s20+$0xFFFFFEC0] =	vst v27;
	v12 =	vld.idx.msk [tilespmem:v12+s10+$0x0], $0xffff  }
0x149: {  	v16 =	vor.u32 $0x3, v16;
	[tilespmem:s24+$0x100] =	vst v33;
	v27 =	vld.idx.msk [tilespmem:v29+s2+$0x0], $0xffff  }
0x14a: {  	v17 =	vadd.s32 v3, v9;
	v29 =	vshll.u32 v21, $0x3;
	v21 =	vld.idx.msk [tilespmem:v25+s2+$0x0], $0xffff;
	[tilespmem:s24+$0xFFFFFF00] =	vst v26  }
0x14b: {  	v25 =	vld.idx.msk [tilespmem:v28+s2+$0x0], $0xffff  }
0x14c: {  	[tilespmem:s20+$0x1C0] =	vst v20;
	v20 =	vor.u32 $0x3, v24;
	v28 =	vld.idx.msk [tilespmem:v13+s2+$0x0], $0xffff  }
0x14d: {  	v26 =	vadd.s32 v1, v10;
	v24 =	vld.idx.msk [tilespmem:v30+s10+$0x0], $0xffff;
	[tilespmem:s22+$0xFFFFFF20] =	vst v23  }
0x14e: {  	[tilespmem:s22+$0x1A0] =	vst v22;
	v22 =	vadd.s32 v1, v19;
	v16 =	vld.idx.msk [tilespmem:v16+s2+$0x0], $0xffff  }
0x14f: {  	v17 =	vld.idx.msk [tilespmem:v17+s10+$0x0], $0xffff;
	v12 =	vshll.u32 v12, $0x3  }
0x150: {  	[tilespmem:s20+$0xFFFFFF40] =	vst v27;
	v23 =	vld.idx.msk [tilespmem:v29+s2+$0x0], $0xffff;
	v27 =	vadd.s32 v3, v18  }
0x151: {  	v30 =	vor.u32 $0x1, v29;
	[tilespmem:s24+$0x180] =	vst v21;
	v20 =	vld.idx.msk [tilespmem:v20+s2+$0x0], $0xffff  }
0x152: {  	v21 =	vld.idx.msk [tilespmem:v26+s10+$0x0], $0xffff;
	v26 =	vadd.s32 v5, v14;
	[tilespmem:s24+$0xFFFFFF80] =	vst v25  }
0x153: {  	v24 =	vshll.u32 v24, $0x3;
	[tilespmem:s22+$0xFFFFFFA0] =	vst v16;
	v16 =	vld.idx.msk [tilespmem:v22+s10+$0x0], $0xffff  }
0x154: {  	v17 =	vshll.u32 v17, $0x3;
	v25 =	vld.idx.msk [tilespmem:v12+s2+$0x0], $0xffff  }
0x155: {  	v22 =	vld.idx.msk [tilespmem:v27+s10+$0x0], $0xffff;
	v27 =	vor.u32 $0x1, v12;
	[tilespmem:s19+$0xFFFFFE60] =	vst v23  }
0x156: {  	v31 =	vor.u32 $0x1, v13;
	[tilespmem:s20+$0xFFFFFFC0] =	vst v20;
	v30 =	vld.idx.msk [tilespmem:v30+s2+$0x0], $0xffff  }
0x157: {  	v21 =	vshll.u32 v21, $0x3;
	v23 =	vld.idx.msk [tilespmem:v26+s10+$0x0], $0xffff  }
0x158: {  	v20 =	vld.idx.msk [tilespmem:v24+s2+$0x0], $0xffff  }
0x159: {  	v26 =	vor.u32 $0x1, v24;
	v58 =	vld.idx.msk [tilespmem:v17+s2+$0x0], $0xffff;
	[tilespmem:s19+$0x70] =	vst v25  }
0x15a: {  	[tilespmem:s18+$0xFFFFFE70] =	vst v28;
	v59 =	vshll.u32 v16, $0x3;
	v16 =	vld.idx.msk [tilespmem:v27+s2+$0x0], $0xffff  }
0x15b: {  	v25 =	vor.u32 $0x1, v17;
	v27 =	vld.idx.msk [tilespmem:v31+s2+$0x0], $0xffff  }
0x15c: {  	[tilespmem:s18+$0x1F0] =	vst v15;
	v28 =	vor.u32 $0x2, v12;
	v31 =	vld.idx.msk [tilespmem:v21+s2+$0x0], $0xffff  }
0x15d: {  	v60 =	vshll.u32 v22, $0x3;
	[tilespmem:s20+$0x50] =	vst v20  }
0x15e: {  	[tilespmem:s19+$0xFFFFFEE0] =	vst v30;
	v61 =	vshll.u32 v23, $0x3;
	v15 =	vld.idx.msk [tilespmem:v26+s2+$0x0], $0xffff  }
0x15f: {  	v20 =	vor.u32 $0x1, v21;
	v22 =	vld.idx.msk [tilespmem:v59+s2+$0x0], $0xffff;
	[tilespmem:s22+$0x30] =	vst v58  }
0x160: {  	v26 =	vor.u32 $0x2, v24;
	v23 =	vld.idx.msk [tilespmem:v25+s2+$0x0], $0xffff;
	[tilespmem:s19+$0xF0] =	vst v16  }
0x161: {  	v16 =	vor.u32 $0x1, v59;
	[tilespmem:s24+$0x10] =	vst v31;
	v25 =	vld.idx.msk [tilespmem:v28+s2+$0x0], $0xffff  }
0x162: {  	v30 =	vor.u32 $0x2, v17;
	[tilespmem:s18+$0xFFFFFEF0] =	vst v27;
	v28 =	vld.idx.msk [tilespmem:v60+s2+$0x0], $0xffff  }
0x163: {  	v31 =	vor.u32 $0x1, v60;
	v62 =	vld.idx.msk [tilespmem:v61+s2+$0x0], $0xffff;
	[tilespmem:s20+$0xD0] =	vst v15  }
0x164: {  	v12 =	vor.u32 $0x3, v12;
	v20 =	vld.idx.msk [tilespmem:v20+s2+$0x0], $0xffff;
	[tilespmem:s24+$0xFFFFFE10] =	vst v22  }
0x165: {  	v27 =	vor.u32 $0x2, v21;
	v26 =	vld.idx.msk [tilespmem:v26+s2+$0x0], $0xffff;
	[tilespmem:s22+$0xB0] =	vst v23  }
0x166: {  	v23 =	vor.u32 $0x3, v24;
	v24 =	vor.u32 $0x1, v61;
	v63 =	vld.idx.msk [tilespmem:v16+s2+$0x0], $0xffff;
	[tilespmem:s19+$0x170] =	vst v25  }
0x167: {  	v38 =	vld.idx.msk [tilespmem:v30+s2+$0x0], $0xffff;
	[tilespmem:s22+$0xFFFFFE30] =	vst v28  }
0x168: {  	v40 =	vor.u32 $0x2, v29;
	[tilespmem:s20+$0xFFFFFE50] =	vst v62;
	v31 =	vld.idx.msk [tilespmem:v31+s2+$0x0], $0xffff  }
0x169: {  	v36 =	vadd.s32 v4, v9;
	v37 =	vor.u32 $0x2, v59;
	v28 =	vld.idx.msk [tilespmem:v12+s2+$0x0], $0xffff;
	[tilespmem:s24+$0x90] =	vst v20  }
0x16a: {  	v39 =	vor.u32 $0x3, v17;
	v43 =	vor.u32 $0x3, v21;
	v17 =	vadd.s32 v6, v18;
	v27 =	vld.idx.msk [tilespmem:v27+s2+$0x0], $0xffff;
	[tilespmem:s20+$0x150] =	vst v26  }
0x16b: {  	v41 =	vor.u32 $0x2, v60;
	v21 =	vadd.s32 v5, v19;
	v15 =	vadd.s32 v7, v11;
	v30 =	vld.idx.msk [tilespmem:v24+s2+$0x0], $0xffff;
	[tilespmem:s24+$0xFFFFFE90] =	vst v63  }
0x16c: {  	v33 =	vor.u32 $0x3, v59;
	v11 =	vadd.s32 v7, v14;
	v22 =	vadd.s32 v4, v18;
	v42 =	vld.idx.msk [tilespmem:v23+s2+$0x0], $0xffff;
	[tilespmem:s22+$0x130] =	vst v38  }
0x16d: {  	v16 =	vadd.s32 v6, v14;
	v24 =	vor.u32 $0x3, v29;
	v29 =	vld.idx.msk [tilespmem:v40+s2+$0x0], $0xffff;
	[tilespmem:s22+$0xFFFFFEB0] =	vst v31;
	v31 =	vadd.s32 v6, v8  }
0x16e: {  	v14 =	vadd.s32 v7, v19;
	v25 =	vadd.s32 v3, v19;
	v37 =	vld.idx.msk [tilespmem:v37+s2+$0x0], $0xffff;
	[tilespmem:s19+$0x1F0] =	vst v28;
	v28 =	vor.u32 $0x2, v61  }
0x16f: {  	v20 =	vadd.s32 v5, v18;
	v12 =	vadd.s32 v7, v18;
	v18 =	vadd.s32 v6, v19;
	v34 =	vld.idx.msk [tilespmem:v39+s2+$0x0], $0xffff  }
0x170: {  	v32 =	vor.u32 $0x3, v60;
	v26 =	vadd.s32 v2, v19;
	v23 =	vadd.s32 v4, v19;
	[tilespmem:s24+$0x110] =	vst v27;
	v35 =	vld.idx.msk [tilespmem:v41+s2+$0x0], $0xffff  }
0x171: {  	s25 =	simm.s32 $0x8;
	s23 =	smov.u32 s24;
	v19 =	vor.u32 $0x2, v13;
	v13 =	vor.u32 $0x3, v13;
	v27 =	vor.u32 $0x3, v61;
	v38 =	vld.idx.msk [tilespmem:v43+s2+$0x0], $0xffff;
	[tilespmem:s20+$0x1D0] =	vst v42  }
.LBB2_3:
0x172: {  	s26 =	sadd.s32 s25, s21;
	s25 =	sadd.s32 $0x2, s25;
	[tilespmem:s20+$0xFFFFFED0] =	vst v30;
	v39 =	vld.idx.msk [tilespmem:v31+s10+$0x0], $0xffff  }
0x173: {  	s28 =	sadd.s32 $0x2, s26;
	s26 =	sadd.s32 $0x3, s26;
	p2 =	slt.u32 s25, $0x30;
	[tilespmem:s24+$0xFFFFFF10] =	vst v37;
	v37 =	vadd.s32 v2, v10;
	v40 =	vld.idx.msk [tilespmem:v28+s2+$0x0], $0xffff  }
0x174: {  	v28 =	vmov s28;
	v30 =	vmov s26;
	v41 =	vld.idx.msk [tilespmem:v33+s2+$0x0], $0xffff;
	[tilespmem:s22+$0x1B0] =	vst v34  }
0x175: {  	v34 =	vand.u32 $0x1FE, v28;
	v33 =	vand.u32 $0x1FF, v30;
	v36 =	vld.idx.msk [tilespmem:v36+s10+$0x0], $0xffff;
	[tilespmem:s19+$0xFFFFFF60] =	vst v29  }
0x176: {  	v29 =	vadd.s32 v0, v34;
	v31 =	vadd.s32 v1, v34;
	v42 =	vadd.s32 v0, v33;
	[tilespmem:s22+$0xFFFFFF30] =	vst v35  }
0x177: {  	v35 =	vadd.s32 v2, v34;
	v30 =	vadd.s32 v3, v34;
	[tilespmem:s24+$0x190] =	vst v38;
	v32 =	vld.idx.msk [tilespmem:v32+s2+$0x0], $0xffff  }
0x178: {  	v28 =	vadd.s32 v5, v34;
	v38 =	vadd.s32 v4, v34;
	v39 =	vshll.u32 v39, $0x3;
	v37 =	vld.idx.msk [tilespmem:v37+s10+$0x0], $0xffff  }
0x179: {  	v43 =	vadd.s32 v6, v34;
	v34 =	vadd.s32 v7, v34;
	[tilespmem:s20+$0xFFFFFF50] =	vst v40;
	v24 =	vld.idx.msk [tilespmem:v24+s2+$0x0], $0xffff  }
0x17a: {  	[tilespmem:s24+$0xFFFFFF90] =	vst v41;
	v27 =	vld.idx.msk [tilespmem:v27+s2+$0x0], $0xffff  }
0x17b: {  	v36 =	vshll.u32 v36, $0x3;
	v40 =	vld.idx.msk [tilespmem:v42+s10+$0x0], $0xffff  }
0x17c: {  	v29 =	vld.idx.msk [tilespmem:v29+s10+$0x0], $0xffff  }
0x17d: {  	[tilespmem:s22+$0xFFFFFFB0] =	vst v32;
	v32 =	vld.idx.msk [tilespmem:v39+s2+$0x0], $0xffff  }
0x17e: {  	v37 =	vshll.u32 v37, $0x3;
	v41 =	vld.idx.msk [tilespmem:v26+s10+$0x0], $0xffff;
	v26 =	vmov v35  }
0x17f: {  	v42 =	vor.u32 $0x1, v39;
	v35 =	vld.idx.msk [tilespmem:v22+s10+$0x0], $0xffff;
	[tilespmem:s19+$0xFFFFFFE0] =	vst v24;
	v22 =	vmov v23;
	v23 =	vmov v38  }
0x180: {  	v24 =	vld.idx.msk [tilespmem:v36+s2+$0x0], $0xffff;
	[tilespmem:s20+$0xFFFFFFD0] =	vst v27  }
0x181: {  	v38 =	vshll.u32 v40, $0x3;
	v27 =	vld.idx.msk [tilespmem:v16+s10+$0x0], $0xffff;
	v16 =	vmovc v17;
	v17 =	vmov v18;
	v18 =	vmov v43  }
0x182: {  	v40 =	vor.u32 $0x1, v36;
	v29 =	vshll.u32 v29, $0x3;
	v43 =	vld.idx.msk [tilespmem:v15+s10+$0x0], $0xffff;
	v15 =	vmovc v11;
	v11 =	vmovc v12;
	v12 =	vmov v14  }
0x183: {  	v44 =	vor.u32 $0x1, v29;
	v45 =	vor.u32 $0x2, v29;
	v46 =	vor.u32 $0x3, v29;
	v14 =	vmovc v34;
	v47 =	vld.idx.msk [tilespmem:v37+s2+$0x0], $0xffff;
	[tilespmem:s20+$0x60] =	vst v32  }
0x184: {  	v32 =	vshll.u32 v41, $0x3;
	v34 =	vld.idx.msk [tilespmem:v42+s2+$0x0], $0xffff  }
0x185: {  	v48 =	vor.u32 $0x1, v37;
	v41 =	vor.u32 $0x1, v32;
	v42 =	vor.u32 $0x2, v32;
	v49 =	vld.idx.msk [tilespmem:v19+s2+$0x0], $0xffff  }
0x186: {  	v52 =	vor.u32 $0x2, v39;
	v51 =	vor.u32 $0x3, v32;
	v35 =	vshll.u32 v35, $0x3;
	v50 =	vld.idx.msk [tilespmem:v38+s2+$0x0], $0xffff;
	[tilespmem:s22+$0x40] =	vst v24  }
0x187: {  	v53 =	vor.u32 $0x1, v35;
	v54 =	vor.u32 $0x2, v35;
	v55 =	vor.u32 $0x3, v35;
	v40 =	vld.idx.msk [tilespmem:v40+s2+$0x0], $0xffff  }
0x188: {  	v57 =	vor.u32 $0x1, v38;
	v58 =	vshll.u32 v27, $0x3;
	v43 =	vshll.u32 v43, $0x3;
	v56 =	vld.idx.msk [tilespmem:v29+s2+$0x0], $0xffff  }
0x189: {  	v59 =	vor.u32 $0x1, v58;
	v29 =	vor.u32 $0x2, v58;
	v32 =	vld.idx.msk [tilespmem:v32+s2+$0x0], $0xffff;
	[tilespmem:s24+$0x20] =	vst v47;
	v47 =	vor.u32 $0x2, v36  }
0x18a: {  	v24 =	vor.u32 $0x3, v58;
	v19 =	vor.u32 $0x2, v43;
	v48 =	vld.idx.msk [tilespmem:v48+s2+$0x0], $0xffff;
	[tilespmem:s20+$0xE0] =	vst v34;
	v34 =	vor.u32 $0x1, v43  }
0x18b: {  	v27 =	vor.u32 $0x3, v43;
	s24 =	sadd.s32 $0x400, s24;
	v52 =	vld.idx.msk [tilespmem:v52+s2+$0x0], $0xffff;
	[tilespmem:s18+$0xFFFFFF70] =	vst v49  }
0x18c: {  	v49 =	vor.u32 $0x2, v37;
	[tilespmem:s24+$0x0] =	vst v50;
	v35 =	vld.idx.msk [tilespmem:v35+s2+$0x0], $0xffff  }
0x18d: {  	v39 =	vor.u32 $0x3, v39;
	v50 =	vld.idx.msk [tilespmem:v57+s2+$0x0], $0xffff;
	[tilespmem:s22+$0xC0] =	vst v40  }
0x18e: {  	[tilespmem:s24+$0xFFFFFE00] =	vst v56;
	v40 =	vld.idx.msk [tilespmem:v47+s2+$0x0], $0xffff  }
0x18f: {  	v47 =	vor.u32 $0x2, v38;
	v44 =	vld.idx.msk [tilespmem:v44+s2+$0x0], $0xffff;
	[tilespmem:s23+$0xFFFFFE20] =	vst v32  }
0x190: {  	v36 =	vor.u32 $0x3, v36;
	v32 =	vld.idx.msk [tilespmem:v41+s2+$0x0], $0xffff;
	[tilespmem:s23+$0xA0] =	vst v48  }
0x191: {  	v41 =	vld.idx.msk [tilespmem:v49+s2+$0x0], $0xffff;
	[tilespmem:s20+$0x160] =	vst v52  }
0x192: {  	[tilespmem:s22+$0xFFFFFE40] =	vst v35;
	v35 =	vld.idx.msk [tilespmem:v39+s2+$0x0], $0xffff  }
0x193: {  	v37 =	vor.u32 $0x3, v37;
	[tilespmem:s24+$0x80] =	vst v50;
	v39 =	vld.idx.msk [tilespmem:v53+s2+$0x0], $0xffff  }
0x194: {  	v47 =	vld.idx.msk [tilespmem:v47+s2+$0x0], $0xffff;
	[tilespmem:s22+$0x140] =	vst v40;
	v40 =	vadd.s32 v7, v8;
	v8 =	vmovc v9;
	v9 =	vmov v10;
	v10 =	vmov v33  }
0x195: {  	[tilespmem:s24+$0xFFFFFE80] =	vst v44;
	v33 =	vld.idx.msk [tilespmem:v36+s2+$0x0], $0xffff  }
0x196: {  	v38 =	vor.u32 $0x3, v38;
	v36 =	vld.idx.msk [tilespmem:v45+s2+$0x0], $0xffff;
	[tilespmem:s23+$0xFFFFFEA0] =	vst v32  }
0x197: {  	v32 =	vld.idx.msk [tilespmem:v42+s2+$0x0], $0xffff;
	[tilespmem:s23+$0x120] =	vst v41;
	v41 =	vadd.s32 v5, v8  }
0x198: {  	v37 =	vld.idx.msk [tilespmem:v37+s2+$0x0], $0xffff;
	[tilespmem:s20+$0x1E0] =	vst v35  }
0x199: {  	[tilespmem:s22+$0xFFFFFEC0] =	vst v39;
	v35 =	vld.idx.msk [tilespmem:v40+s10+$0x0], $0xffff  }
0x19a: {  	v39 =	vadd.s32 v3, v9;
	[tilespmem:s24+$0x100] =	vst v47;
	v40 =	vld.idx.msk [tilespmem:v54+s2+$0x0], $0xffff  }
0x19b: {  	v38 =	vld.idx.msk [tilespmem:v38+s2+$0x0], $0xffff;
	[tilespmem:s22+$0x1C0] =	vst v33  }
0x19c: {  	[tilespmem:s24+$0xFFFFFF00] =	vst v36;
	v33 =	vld.idx.msk [tilespmem:v41+s10+$0x0], $0xffff  }
0x19d: {  	v41 =	vadd.s32 v1, v10;
	v36 =	vld.idx.msk [tilespmem:v46+s2+$0x0], $0xffff;
	[tilespmem:s23+$0xFFFFFF20] =	vst v32  }
0x19e: {  	v32 =	vld.idx.msk [tilespmem:v51+s2+$0x0], $0xffff;
	[tilespmem:s23+$0x1A0] =	vst v37  }
0x19f: {  	v35 =	vshll.u32 v35, $0x3;
	v37 =	vld.idx.msk [tilespmem:v39+s10+$0x0], $0xffff  }
0x1a0: {  	[tilespmem:s22+$0xFFFFFF40] =	vst v40;
	v39 =	vld.idx.msk [tilespmem:v58+s2+$0x0], $0xffff  }
0x1a1: {  	[tilespmem:s24+$0x180] =	vst v38;
	v38 =	vld.idx.msk [tilespmem:v55+s2+$0x0], $0xffff  }
0x1a2: {  	v40 =	vld.idx.msk [tilespmem:v41+s10+$0x0], $0xffff;
	v41 =	vshll.u32 v33, $0x3  }
0x1a3: {  	[tilespmem:s24+$0xFFFFFF80] =	vst v36;
	v33 =	vld.idx.msk [tilespmem:v43+s2+$0x0], $0xffff  }
0x1a4: {  	[tilespmem:s23+$0xFFFFFFA0] =	vst v32;
	v32 =	vld.idx.msk [tilespmem:v35+s2+$0x0], $0xffff  }
0x1a5: {  	v36 =	vshll.u32 v37, $0x3;
	v31 =	vld.idx.msk [tilespmem:v31+s10+$0x0], $0xffff  }
0x1a6: {  	v37 =	vld.idx.msk [tilespmem:v25+s10+$0x0], $0xffff;
	[tilespmem:s20+$0xFFFFFE60] =	vst v39;
	v39 =	vor.u32 $0x1, v35;
	v25 =	vmov v30  }
0x1a7: {  	[tilespmem:s22+$0xFFFFFFC0] =	vst v38;
	v30 =	vld.idx.msk [tilespmem:v41+s2+$0x0], $0xffff  }
0x1a8: {  	v38 =	vshll.u32 v40, $0x3;
	v40 =	vld.idx.msk [tilespmem:v20+s10+$0x0], $0xffff;
	v20 =	vmov v21;
	v21 =	vmov v28  }
0x1a9: {  	v28 =	vor.u32 $0x1, v41;
	v42 =	vld.idx.msk [tilespmem:v59+s2+$0x0], $0xffff;
	[tilespmem:s19+$0xFFFFFE70] =	vst v33  }
0x1aa: {  	v43 =	vld.idx.msk [tilespmem:v36+s2+$0x0], $0xffff;
	[tilespmem:s20+$0x70] =	vst v32  }
0x1ab: {  	v31 =	vshll.u32 v31, $0x3;
	v39 =	vld.idx.msk [tilespmem:v39+s2+$0x0], $0xffff  }
0x1ac: {  	v46 =	vor.u32 $0x1, v36;
	v44 =	vor.u32 $0x1, v31;
	v45 =	vor.u32 $0x2, v31;
	v34 =	vld.idx.msk [tilespmem:v34+s2+$0x0], $0xffff  }
0x1ad: {  	v33 =	vor.u32 $0x3, v31;
	v37 =	vshll.u32 v37, $0x3;
	v47 =	vld.idx.msk [tilespmem:v38+s2+$0x0], $0xffff;
	[tilespmem:s22+$0x50] =	vst v30;
	v30 =	vor.u32 $0x2, v35  }
0x1ae: {  	v48 =	vor.u32 $0x1, v37;
	v49 =	vor.u32 $0x2, v37;
	v32 =	vor.u32 $0x3, v37;
	v50 =	vld.idx.msk [tilespmem:v28+s2+$0x0], $0xffff  }
0x1af: {  	v51 =	vor.u32 $0x1, v38;
	v40 =	vshll.u32 v40, $0x3;
	[tilespmem:s20+$0xFFFFFEE0] =	vst v42;
	v42 =	vld.idx.msk [tilespmem:v13+s2+$0x0], $0xffff;
	v13 =	vmov v27  }
0x1b0: {  	v52 =	vor.u32 $0x2, v41;
	v28 =	vor.u32 $0x2, v40;
	v31 =	vld.idx.msk [tilespmem:v31+s2+$0x0], $0xffff;
	[tilespmem:s23+$0x30] =	vst v43;
	v43 =	vor.u32 $0x1, v40  }
0x1b1: {  	v27 =	vor.u32 $0x3, v40;
	v46 =	vld.idx.msk [tilespmem:v46+s2+$0x0], $0xffff;
	[tilespmem:s20+$0xF0] =	vst v39  }
0x1b2: {  	v30 =	vld.idx.msk [tilespmem:v30+s2+$0x0], $0xffff;
	[tilespmem:s19+$0xFFFFFEF0] =	vst v34  }
0x1b3: {  	[tilespmem:s24+$0x10] =	vst v47;
	v34 =	vld.idx.msk [tilespmem:v37+s2+$0x0], $0xffff;
	v37 =	vor.u32 $0x2, v36  }
0x1b4: {  	v35 =	vor.u32 $0x3, v35;
	v39 =	vld.idx.msk [tilespmem:v51+s2+$0x0], $0xffff;
	[tilespmem:s22+$0xD0] =	vst v50  }
0x1b5: {  	v47 =	vld.idx.msk [tilespmem:v52+s2+$0x0], $0xffff;
	[tilespmem:s18+$0xFFFFFFF0] =	vst v42;
	s18 =	smov.u32 s19;
	s19 =	smov.u32 s20;
	s20 =	smov.u32 s22  }
0x1b6: {  	s22 =	smov.u32 s23;
	s23 =	smov.u32 s24;
	[tilespmem:s24+$0xFFFFFE10] =	vst v31;
	v31 =	vor.u32 $0x2, v38;
	v40 =	vld.idx.msk [tilespmem:v40+s2+$0x0], $0xffff  }
0x1b7: {  	v41 =	vor.u32 $0x3, v41;
	v42 =	vld.idx.msk [tilespmem:v44+s2+$0x0], $0xffff;
	[tilespmem:s22+$0xB0] =	vst v46  }
0x1b8: {  	v44 =	vld.idx.msk [tilespmem:v37+s2+$0x0], $0xffff;
	[tilespmem:s19+$0x170] =	vst v30  }
0x1b9: {  	[tilespmem:s22+$0xFFFFFE30] =	vst v34;
	v35 =	vld.idx.msk [tilespmem:v35+s2+$0x0], $0xffff  }
0x1ba: {  	v34 =	vor.u32 $0x3, v36;
	[tilespmem:s24+$0x90] =	vst v39;
	v39 =	vld.idx.msk [tilespmem:v48+s2+$0x0], $0xffff  }
0x1bb: {  	v36 =	vld.idx.msk [tilespmem:v31+s2+$0x0], $0xffff;
	[tilespmem:s20+$0x150] =	vst v47  }
0x1bc: {  	[tilespmem:s20+$0xFFFFFE50] =	vst v40;
	v40 =	vld.idx.msk [tilespmem:v41+s2+$0x0], $0xffff  }
0x1bd: {  	v38 =	vor.u32 $0x3, v38;
	[tilespmem:s24+$0xFFFFFE90] =	vst v42;
	v30 =	vld.idx.msk [tilespmem:v43+s2+$0x0], $0xffff  }
.Ltmp0:
0x1be: {  	v31 =	vadd.s32 v6, v8;
	v37 =	vld.idx.msk [tilespmem:v45+s2+$0x0], $0xffff;
	[tilespmem:s22+$0x130] =	vst v44;
	(pc) =	sbr.rel @p2 .LBB2_3-.Ltmp0, $4  }
0x1bf: {  	v34 =	vld.idx.msk [tilespmem:v34+s2+$0x0], $0xffff;
	[tilespmem:s19+$0x1F0] =	vst v35  }
0x1c0: {  	[tilespmem:s22+$0xFFFFFEB0] =	vst v39;
	v29 =	vld.idx.msk [tilespmem:v29+s2+$0x0], $0xffff  }
0x1c1: {  	[tilespmem:s24+$0x110] =	vst v36;
	v35 =	vld.idx.msk [tilespmem:v49+s2+$0x0], $0xffff;
	v36 =	vadd.s32 v4, v9  }
0x1c2: {  	v38 =	vld.idx.msk [tilespmem:v38+s2+$0x0], $0xffff;
	[tilespmem:s20+$0x1D0] =	vst v40  }
0x1c3: {  	_ =	sdelay $0x2  }
0x1c4: {  	[tilespmem:s24+$0xFFFFFF10] =	vst v37  }
0x1c5: {  	v43 =	vadd.s32 v2, v10;
	v33 =	vld.idx.msk [tilespmem:v33+s2+$0x0], $0xffff;
	_ =	sdelay $0x3  }
0x1c6: {  	[tilespmem:s24+$0x190] =	vst v38  }
0x1c7: {  	v37 =	vld.idx.msk [tilespmem:v43+s10+$0x0], $0xffff;
	[tilespmem:s24+$0xFFFFFF90] =	vst v33  }
0x1c8: {  	v26 =	vld.idx.msk [tilespmem:v26+s10+$0x0], $0xffff;
	_ =	sdelay $0x3  }
0x1c9: {  	v44 =	vshll.u32 v37, $0x3  }
0x1ca: {  	v26 =	vshll.u32 v26, $0x3;
	_ =	sdelay $0x3  }
0x1cb: {  	v37 =	vld.idx.msk [tilespmem:v44+s2+$0x0], $0xffff  }
0x1cc: {  	v45 =	vor.u32 $0x1, v44;
	v39 =	vld.idx.msk [tilespmem:v26+s2+$0x0], $0xffff  }
0x1cd: {  	v40 =	vor.u32 $0x1, v26;
	_ =	sdelay $0x2  }
0x1ce: {  	[tilespmem:s24+$0x20] =	vst v37  }
0x1cf: {  	v37 =	vld.idx.msk [tilespmem:v45+s2+$0x0], $0xffff;
	[tilespmem:s23+$0xFFFFFE20] =	vst v39  }
0x1d0: {  	v46 =	vor.u32 $0x2, v44;
	v39 =	vld.idx.msk [tilespmem:v40+s2+$0x0], $0xffff  }
0x1d1: {  	v47 =	vor.u32 $0x2, v26;
	_ =	sdelay $0x2  }
0x1d2: {  	[tilespmem:s23+$0xA0] =	vst v37  }
0x1d3: {  	v37 =	vld.idx.msk [tilespmem:v46+s2+$0x0], $0xffff;
	[tilespmem:s23+$0xFFFFFEA0] =	vst v39  }
0x1d4: {  	v33 =	vor.u32 $0x3, v44;
	v48 =	vld.idx.msk [tilespmem:v47+s2+$0x0], $0xffff  }
0x1d5: {  	v26 =	vor.u32 $0x3, v26;
	_ =	sdelay $0x2  }
0x1d6: {  	[tilespmem:s23+$0x120] =	vst v37  }
0x1d7: {  	v33 =	vld.idx.msk [tilespmem:v33+s2+$0x0], $0xffff;
	[tilespmem:s23+$0xFFFFFF20] =	vst v48  }
0x1d8: {  	v49 =	vadd.s32 v3, v10;
	v26 =	vld.idx.msk [tilespmem:v26+s2+$0x0], $0xffff;
	_ =	sdelay $0x3  }
0x1d9: {  	[tilespmem:s23+$0x1A0] =	vst v33  }
0x1da: {  	v33 =	vld.idx.msk [tilespmem:v49+s10+$0x0], $0xffff;
	[tilespmem:s23+$0xFFFFFFA0] =	vst v26  }
0x1db: {  	v25 =	vld.idx.msk [tilespmem:v25+s10+$0x0], $0xffff;
	_ =	sdelay $0x3  }
0x1dc: {  	v50 =	vshll.u32 v33, $0x3  }
0x1dd: {  	v25 =	vshll.u32 v25, $0x3;
	_ =	sdelay $0x3  }
0x1de: {  	v33 =	vld.idx.msk [tilespmem:v50+s2+$0x0], $0xffff  }
0x1df: {  	v51 =	vor.u32 $0x1, v50;
	v38 =	vld.idx.msk [tilespmem:v25+s2+$0x0], $0xffff  }
0x1e0: {  	v52 =	vor.u32 $0x1, v25;
	_ =	sdelay $0x2  }
0x1e1: {  	[tilespmem:s23+$0x30] =	vst v33  }
0x1e2: {  	v33 =	vld.idx.msk [tilespmem:v51+s2+$0x0], $0xffff;
	[tilespmem:s23+$0xFFFFFE30] =	vst v38  }
0x1e3: {  	v53 =	vor.u32 $0x2, v50;
	v38 =	vld.idx.msk [tilespmem:v52+s2+$0x0], $0xffff  }
0x1e4: {  	v54 =	vor.u32 $0x2, v25;
	_ =	sdelay $0x2  }
0x1e5: {  	[tilespmem:s23+$0xB0] =	vst v33  }
0x1e6: {  	v33 =	vld.idx.msk [tilespmem:v53+s2+$0x0], $0xffff;
	[tilespmem:s23+$0xFFFFFEB0] =	vst v38  }
0x1e7: {  	v26 =	vor.u32 $0x3, v50;
	v55 =	vld.idx.msk [tilespmem:v54+s2+$0x0], $0xffff  }
0x1e8: {  	v25 =	vor.u32 $0x3, v25  }
0x1e9: {  	[tilespmem:s22+$0xFFFFFF30] =	vst v35  }
0x1ea: {  	v32 =	vld.idx.msk [tilespmem:v32+s2+$0x0], $0xffff  }
0x1eb: {  	[tilespmem:s23+$0x130] =	vst v33  }
0x1ec: {  	v26 =	vld.idx.msk [tilespmem:v26+s2+$0x0], $0xffff;
	[tilespmem:s23+$0xFFFFFF30] =	vst v55  }
0x1ed: {  	v56 =	vadd.s32 v4, v10;
	[tilespmem:s22+$0x1B0] =	vst v34;
	v25 =	vld.idx.msk [tilespmem:v25+s2+$0x0], $0xffff  }
0x1ee: {  	v34 =	vld.idx.msk [tilespmem:v36+s10+$0x0], $0xffff  }
0x1ef: {  	[tilespmem:s22+$0xFFFFFFB0] =	vst v32  }
0x1f0: {  	v22 =	vld.idx.msk [tilespmem:v22+s10+$0x0], $0xffff  }
0x1f1: {  	[tilespmem:s23+$0x1B0] =	vst v26  }
0x1f2: {  	v26 =	vld.idx.msk [tilespmem:v56+s10+$0x0], $0xffff;
	[tilespmem:s23+$0xFFFFFFB0] =	vst v25  }
0x1f3: {  	v57 =	vshll.u32 v34, $0x3;
	v23 =	vld.idx.msk [tilespmem:v23+s10+$0x0], $0xffff;
	_ =	sdelay $0x1  }
0x1f4: {  	v22 =	vshll.u32 v22, $0x3;
	_ =	sdelay $0x1  }
0x1f5: {  	v26 =	vshll.u32 v26, $0x3  }
0x1f6: {  	v58 =	vld.idx.msk [tilespmem:v57+s2+$0x0], $0xffff;
	v23 =	vshll.u32 v23, $0x3  }
0x1f7: {  	v59 =	vor.u32 $0x1, v57  }
0x1f8: {  	v35 =	vld.idx.msk [tilespmem:v22+s2+$0x0], $0xffff  }
0x1f9: {  	v62 =	vor.u32 $0x1, v22  }
0x1fa: {  	v60 =	vld.idx.msk [tilespmem:v26+s2+$0x0], $0xffff  }
0x1fb: {  	[tilespmem:s22+$0x40] =	vst v58;
	v61 =	vor.u32 $0x1, v26;
	v38 =	vld.idx.msk [tilespmem:v23+s2+$0x0], $0xffff  }
0x1fc: {  	v33 =	vld.idx.msk [tilespmem:v59+s2+$0x0], $0xffff;
	v63 =	vor.u32 $0x1, v23  }
0x1fd: {  	v42 =	vor.u32 $0x2, v57;
	[tilespmem:s22+$0xFFFFFE40] =	vst v35  }
0x1fe: {  	v35 =	vld.idx.msk [tilespmem:v62+s2+$0x0], $0xffff  }
0x1ff: {  	v44 =	vor.u32 $0x2, v22;
	[tilespmem:s23+$0x40] =	vst v60  }
0x200: {  	v34 =	vld.idx.msk [tilespmem:v61+s2+$0x0], $0xffff;
	[tilespmem:s23+$0xFFFFFE40] =	vst v38  }
0x201: {  	[tilespmem:s22+$0xC0] =	vst v33;
	v43 =	vor.u32 $0x2, v26;
	v32 =	vld.idx.msk [tilespmem:v63+s2+$0x0], $0xffff  }
0x202: {  	v46 =	vld.idx.msk [tilespmem:v42+s2+$0x0], $0xffff;
	v45 =	vor.u32 $0x2, v23  }
0x203: {  	[tilespmem:s22+$0xFFFFFEC0] =	vst v35;
	v25 =	vor.u32 $0x3, v57  }
0x204: {  	v35 =	vld.idx.msk [tilespmem:v44+s2+$0x0], $0xffff  }
0x205: {  	v22 =	vor.u32 $0x3, v22;
	[tilespmem:s23+$0xC0] =	vst v34  }
0x206: {  	v34 =	vld.idx.msk [tilespmem:v43+s2+$0x0], $0xffff;
	[tilespmem:s23+$0xFFFFFEC0] =	vst v32  }
0x207: {  	[tilespmem:s22+$0x140] =	vst v46;
	v26 =	vor.u32 $0x3, v26;
	v32 =	vld.idx.msk [tilespmem:v45+s2+$0x0], $0xffff  }
0x208: {  	v25 =	vld.idx.msk [tilespmem:v25+s2+$0x0], $0xffff;
	v23 =	vor.u32 $0x3, v23  }
0x209: {  	v47 =	vadd.s32 v5, v9;
	[tilespmem:s22+$0xFFFFFF40] =	vst v35  }
0x20a: {  	v22 =	vld.idx.msk [tilespmem:v22+s2+$0x0], $0xffff  }
0x20b: {  	[tilespmem:s23+$0x140] =	vst v34  }
0x20c: {  	v26 =	vld.idx.msk [tilespmem:v26+s2+$0x0], $0xffff;
	[tilespmem:s23+$0xFFFFFF40] =	vst v32  }
0x20d: {  	v48 =	vadd.s32 v5, v10;
	[tilespmem:s22+$0x1C0] =	vst v25;
	v23 =	vld.idx.msk [tilespmem:v23+s2+$0x0], $0xffff  }
0x20e: {  	v25 =	vld.idx.msk [tilespmem:v47+s10+$0x0], $0xffff  }
0x20f: {  	[tilespmem:s22+$0xFFFFFFC0] =	vst v22  }
0x210: {  	v20 =	vld.idx.msk [tilespmem:v20+s10+$0x0], $0xffff  }
0x211: {  	[tilespmem:s23+$0x1C0] =	vst v26  }
0x212: {  	v49 =	vld.idx.msk [tilespmem:v48+s10+$0x0], $0xffff;
	[tilespmem:s23+$0xFFFFFFC0] =	vst v23  }
0x213: {  	v50 =	vshll.u32 v25, $0x3;
	v21 =	vld.idx.msk [tilespmem:v21+s10+$0x0], $0xffff;
	_ =	sdelay $0x1  }
0x214: {  	v20 =	vshll.u32 v20, $0x3;
	_ =	sdelay $0x1  }
0x215: {  	v22 =	vshll.u32 v49, $0x3  }
0x216: {  	[tilespmem:s20+$0xFFFFFED0] =	vst v30;
	v25 =	vld.idx.msk [tilespmem:v50+s2+$0x0], $0xffff;
	v21 =	vshll.u32 v21, $0x3  }
0x217: {  	v28 =	vld.idx.msk [tilespmem:v28+s2+$0x0], $0xffff;
	v52 =	vor.u32 $0x1, v50  }
0x218: {  	v54 =	vld.idx.msk [tilespmem:v20+s2+$0x0], $0xffff  }
0x219: {  	v56 =	vor.u32 $0x1, v20  }
0x21a: {  	v53 =	vld.idx.msk [tilespmem:v22+s2+$0x0], $0xffff  }
0x21b: {  	[tilespmem:s22+$0x50] =	vst v25;
	v55 =	vor.u32 $0x1, v22;
	v57 =	vld.idx.msk [tilespmem:v21+s2+$0x0], $0xffff  }
0x21c: {  	[tilespmem:s20+$0xFFFFFF50] =	vst v28;
	v59 =	vld.idx.msk [tilespmem:v52+s2+$0x0], $0xffff;
	v58 =	vor.u32 $0x1, v21  }
0x21d: {  	v27 =	vld.idx.msk [tilespmem:v27+s2+$0x0], $0xffff;
	[tilespmem:s22+$0xFFFFFE50] =	vst v54;
	v60 =	vor.u32 $0x2, v50  }
0x21e: {  	v33 =	vld.idx.msk [tilespmem:v56+s2+$0x0], $0xffff  }
0x21f: {  	v62 =	vor.u32 $0x2, v20;
	v51 =	vld.idx.msk [tilespmem:v31+s10+$0x0], $0xffff;
	[tilespmem:s23+$0x50] =	vst v53  }
0x220: {  	v32 =	vld.idx.msk [tilespmem:v55+s2+$0x0], $0xffff;
	[tilespmem:s23+$0xFFFFFE50] =	vst v57  }
0x221: {  	[tilespmem:s22+$0xD0] =	vst v59;
	v61 =	vor.u32 $0x2, v22;
	v25 =	vld.idx.msk [tilespmem:v58+s2+$0x0], $0xffff  }
0x222: {  	[tilespmem:s19+$0xFFFFFF60] =	vst v29;
	v31 =	vld.idx.msk [tilespmem:v60+s2+$0x0], $0xffff;
	v63 =	vor.u32 $0x2, v21  }
0x223: {  	[tilespmem:s22+$0xFFFFFED0] =	vst v33;
	v23 =	vor.u32 $0x3, v50  }
0x224: {  	[tilespmem:s20+$0xFFFFFFD0] =	vst v27;
	v29 =	vld.idx.msk [tilespmem:v62+s2+$0x0], $0xffff;
	v26 =	vshll.u32 v51, $0x3  }
0x225: {  	v16 =	vld.idx.msk [tilespmem:v16+s10+$0x0], $0xffff;
	v20 =	vor.u32 $0x3, v20;
	[tilespmem:s23+$0xD0] =	vst v32  }
0x226: {  	v38 =	vld.idx.msk [tilespmem:v61+s2+$0x0], $0xffff;
	[tilespmem:s23+$0xFFFFFED0] =	vst v25  }
0x227: {  	[tilespmem:s22+$0x150] =	vst v31;
	v22 =	vor.u32 $0x3, v22;
	v25 =	vld.idx.msk [tilespmem:v63+s2+$0x0], $0xffff  }
0x228: {  	v23 =	vld.idx.msk [tilespmem:v23+s2+$0x0], $0xffff;
	v21 =	vor.u32 $0x3, v21  }
0x229: {  	v40 =	vadd.s32 v6, v9;
	[tilespmem:s22+$0xFFFFFF50] =	vst v29;
	v36 =	vld.idx.msk [tilespmem:v26+s2+$0x0], $0xffff  }
0x22a: {  	v20 =	vld.idx.msk [tilespmem:v20+s2+$0x0], $0xffff;
	v37 =	vor.u32 $0x1, v26  }
0x22b: {  	[tilespmem:s23+$0x150] =	vst v38  }
0x22c: {  	v16 =	vshll.u32 v16, $0x3;
	v22 =	vld.idx.msk [tilespmem:v22+s2+$0x0], $0xffff;
	[tilespmem:s23+$0xFFFFFF50] =	vst v25  }
0x22d: {  	v42 =	vadd.s32 v6, v10;
	[tilespmem:s22+$0x1D0] =	vst v23;
	v21 =	vld.idx.msk [tilespmem:v21+s2+$0x0], $0xffff  }
0x22e: {  	[tilespmem:s20+$0x60] =	vst v36;
	v23 =	vld.idx.msk [tilespmem:v40+s10+$0x0], $0xffff  }
0x22f: {  	[tilespmem:s22+$0xFFFFFFD0] =	vst v20;
	v39 =	vld.idx.msk [tilespmem:v37+s2+$0x0], $0xffff  }
0x230: {  	v17 =	vld.idx.msk [tilespmem:v17+s10+$0x0], $0xffff;
	v41 =	vor.u32 $0x2, v26  }
0x231: {  	v47 =	vld.idx.msk [tilespmem:v16+s2+$0x0], $0xffff;
	[tilespmem:s23+$0x1D0] =	vst v22  }
0x232: {  	v44 =	vld.idx.msk [tilespmem:v42+s10+$0x0], $0xffff;
	[tilespmem:s23+$0xFFFFFFD0] =	vst v21  }
0x233: {  	v46 =	vshll.u32 v23, $0x3;
	v18 =	vld.idx.msk [tilespmem:v18+s10+$0x0], $0xffff  }
0x234: {  	v49 =	vor.u32 $0x1, v16;
	[tilespmem:s20+$0xE0] =	vst v39  }
0x235: {  	v17 =	vshll.u32 v17, $0x3;
	v43 =	vld.idx.msk [tilespmem:v41+s2+$0x0], $0xffff  }
0x236: {  	v45 =	vor.u32 $0x3, v26  }
0x237: {  	v24 =	vld.idx.msk [tilespmem:v24+s2+$0x0], $0xffff;
	v20 =	vshll.u32 v44, $0x3  }
0x238: {  	[tilespmem:s20+$0xFFFFFE60] =	vst v47;
	v23 =	vld.idx.msk [tilespmem:v46+s2+$0x0], $0xffff;
	v18 =	vshll.u32 v18, $0x3  }
0x239: {  	v57 =	vld.idx.msk [tilespmem:v49+s2+$0x0], $0xffff;
	v48 =	vor.u32 $0x1, v46  }
0x23a: {  	v51 =	vld.idx.msk [tilespmem:v17+s2+$0x0], $0xffff;
	v59 =	vor.u32 $0x2, v16;
	[tilespmem:s20+$0x160] =	vst v43  }
0x23b: {  	v53 =	vor.u32 $0x1, v17;
	v21 =	vld.idx.msk [tilespmem:v45+s2+$0x0], $0xffff  }
0x23c: {  	v8 =	vadd.s32 v7, v8;
	v50 =	vld.idx.msk [tilespmem:v20+s2+$0x0], $0xffff  }
0x23d: {  	[tilespmem:s22+$0x60] =	vst v23;
	v52 =	vor.u32 $0x1, v20;
	v54 =	vld.idx.msk [tilespmem:v18+s2+$0x0], $0xffff  }
0x23e: {  	[tilespmem:s20+$0xFFFFFEE0] =	vst v57;
	v56 =	vld.idx.msk [tilespmem:v48+s2+$0x0], $0xffff;
	v55 =	vor.u32 $0x1, v18  }
0x23f: {  	[tilespmem:s22+$0xFFFFFE60] =	vst v51;
	v58 =	vor.u32 $0x2, v46;
	v35 =	vld.idx.msk [tilespmem:v59+s2+$0x0], $0xffff  }
0x240: {  	[tilespmem:s20+$0x1E0] =	vst v21;
	v21 =	vld.idx.msk [tilespmem:v53+s2+$0x0], $0xffff  }
0x241: {  	v62 =	vor.u32 $0x2, v17;
	v8 =	vld.idx.msk [tilespmem:v8+s10+$0x0], $0xffff;
	[tilespmem:s23+$0x60] =	vst v50  }
0x242: {  	v16 =	vor.u32 $0x3, v16;
	v60 =	vld.idx.msk [tilespmem:v52+s2+$0x0], $0xffff;
	[tilespmem:s23+$0xFFFFFE60] =	vst v54  }
0x243: {  	[tilespmem:s22+$0xE0] =	vst v56;
	v61 =	vor.u32 $0x2, v20;
	v23 =	vld.idx.msk [tilespmem:v55+s2+$0x0], $0xffff  }
0x244: {  	[tilespmem:s19+$0xFFFFFFE0] =	vst v24;
	v34 =	vld.idx.msk [tilespmem:v58+s2+$0x0], $0xffff;
	v33 =	vor.u32 $0x2, v18  }
0x245: {  	v15 =	vld.idx.msk [tilespmem:v15+s10+$0x0], $0xffff;
	v22 =	vor.u32 $0x3, v46;
	[tilespmem:s22+$0xFFFFFEE0] =	vst v21  }
0x246: {  	[tilespmem:s20+$0xFFFFFF60] =	vst v35;
	v8 =	vshll.u32 v8, $0x3;
	v37 =	vld.idx.msk [tilespmem:v62+s2+$0x0], $0xffff  }
0x247: {  	v17 =	vor.u32 $0x3, v17;
	v16 =	vld.idx.msk [tilespmem:v16+s2+$0x0], $0xffff;
	[tilespmem:s23+$0xE0] =	vst v60  }
0x248: {  	v36 =	vld.idx.msk [tilespmem:v61+s2+$0x0], $0xffff;
	[tilespmem:s23+$0xFFFFFEE0] =	vst v23  }
0x249: {  	[tilespmem:s22+$0x160] =	vst v34;
	v20 =	vor.u32 $0x3, v20;
	v23 =	vld.idx.msk [tilespmem:v33+s2+$0x0], $0xffff  }
0x24a: {  	v22 =	vld.idx.msk [tilespmem:v22+s2+$0x0], $0xffff;
	v18 =	vor.u32 $0x3, v18  }
0x24b: {  	v40 =	vadd.s32 v7, v9;
	v38 =	vld.idx.msk [tilespmem:v8+s2+$0x0], $0xffff;
	[tilespmem:s22+$0xFFFFFF60] =	vst v37  }
0x24c: {  	[tilespmem:s20+$0xFFFFFFE0] =	vst v16;
	v39 =	vor.u32 $0x1, v8;
	v17 =	vld.idx.msk [tilespmem:v17+s2+$0x0], $0xffff  }
0x24d: {  	v11 =	vld.idx.msk [tilespmem:v11+s10+$0x0], $0xffff;
	[tilespmem:s23+$0x160] =	vst v36  }
0x24e: {  	v15 =	vshll.u32 v15, $0x3;
	v20 =	vld.idx.msk [tilespmem:v20+s2+$0x0], $0xffff;
	[tilespmem:s23+$0xFFFFFF60] =	vst v23  }
0x24f: {  	v41 =	vadd.s32 v7, v10;
	[tilespmem:s22+$0x1E0] =	vst v22;
	v18 =	vld.idx.msk [tilespmem:v18+s2+$0x0], $0xffff  }
0x250: {  	v9 =	vld.idx.msk [tilespmem:v40+s10+$0x0], $0xffff;
	[tilespmem:s20+$0x70] =	vst v38  }
0x251: {  	v42 =	vld.idx.msk [tilespmem:v39+s2+$0x0], $0xffff;
	[tilespmem:s22+$0xFFFFFFE0] =	vst v17  }
0x252: {  	v44 =	vor.u32 $0x2, v8;
	v12 =	vld.idx.msk [tilespmem:v12+s10+$0x0], $0xffff  }
0x253: {  	v63 =	vld.idx.msk [tilespmem:v15+s2+$0x0], $0xffff;
	[tilespmem:s23+$0x1E0] =	vst v20  }
0x254: {  	v43 =	vor.u32 $0x1, v15;
	v10 =	vld.idx.msk [tilespmem:v41+s10+$0x0], $0xffff;
	[tilespmem:s23+$0xFFFFFFE0] =	vst v18  }
0x255: {  	v11 =	vshll.u32 v11, $0x3;
	v14 =	vld.idx.msk [tilespmem:v14+s10+$0x0], $0xffff  }
0x256: {  	v9 =	vshll.u32 v9, $0x3;
	[tilespmem:s20+$0xF0] =	vst v42  }
0x257: {  	v12 =	vshll.u32 v12, $0x3;
	v17 =	vld.idx.msk [tilespmem:v44+s2+$0x0], $0xffff  }
0x258: {  	v19 =	vld.idx.msk [tilespmem:v19+s2+$0x0], $0xffff;
	[tilespmem:s19+$0xFFFFFE70] =	vst v63;
	v8 =	vor.u32 $0x3, v8  }
0x259: {  	v16 =	vld.idx.msk [tilespmem:v43+s2+$0x0], $0xffff;
	v10 =	vshll.u32 v10, $0x3  }
0x25a: {  	v46 =	vld.idx.msk [tilespmem:v11+s2+$0x0], $0xffff;
	v14 =	vshll.u32 v14, $0x3  }
0x25b: {  	v45 =	vld.idx.msk [tilespmem:v9+s2+$0x0], $0xffff  }
0x25c: {  	v48 =	vor.u32 $0x1, v11;
	v50 =	vld.idx.msk [tilespmem:v12+s2+$0x0], $0xffff;
	[tilespmem:s20+$0x170] =	vst v17  }
0x25d: {  	[tilespmem:s18+$0xFFFFFF70] =	vst v19;
	v47 =	vor.u32 $0x1, v9;
	v8 =	vld.idx.msk [tilespmem:v8+s2+$0x0], $0xffff  }
0x25e: {  	[tilespmem:s19+$0xFFFFFEF0] =	vst v16;
	v52 =	vor.u32 $0x1, v12;
	v49 =	vld.idx.msk [tilespmem:v10+s2+$0x0], $0xffff  }
0x25f: {  	[tilespmem:s20+$0xFFFFFE70] =	vst v46;
	v51 =	vor.u32 $0x1, v10;
	v23 =	vld.idx.msk [tilespmem:v14+s2+$0x0], $0xffff  }
0x260: {  	v13 =	vld.idx.msk [tilespmem:v13+s2+$0x0], $0xffff;
	[tilespmem:s22+$0x70] =	vst v45;
	v53 =	vor.u32 $0x1, v14  }
0x261: {  	v54 =	vor.u32 $0x2, v15;
	v16 =	vld.idx.msk [tilespmem:v48+s2+$0x0], $0xffff;
	[tilespmem:s22+$0xFFFFFE70] =	vst v50  }
0x262: {  	v57 =	vor.u32 $0x2, v11;
	v55 =	vld.idx.msk [tilespmem:v47+s2+$0x0], $0xffff;
	[tilespmem:s20+$0x1F0] =	vst v8  }
0x263: {  	v56 =	vor.u32 $0x2, v9;
	v17 =	vld.idx.msk [tilespmem:v52+s2+$0x0], $0xffff;
	[tilespmem:s23+$0x70] =	vst v49  }
0x264: {  	v8 =	vor.u32 $0x2, v12;
	v58 =	vld.idx.msk [tilespmem:v51+s2+$0x0], $0xffff;
	[tilespmem:s23+$0xFFFFFE70] =	vst v23  }
0x265: {  	[tilespmem:s18+$0xFFFFFFF0] =	vst v13;
	v59 =	vor.u32 $0x2, v10;
	v18 =	vld.idx.msk [tilespmem:v53+s2+$0x0], $0xffff  }
0x266: {  	v60 =	vld.idx.msk [tilespmem:v54+s2+$0x0], $0xffff;
	[tilespmem:s20+$0xFFFFFEF0] =	vst v16;
	v61 =	vor.u32 $0x2, v14  }
0x267: {  	v15 =	vor.u32 $0x3, v15;
	v16 =	vld.idx.msk [tilespmem:v57+s2+$0x0], $0xffff;
	[tilespmem:s22+$0xF0] =	vst v55  }
0x268: {  	v11 =	vor.u32 $0x3, v11;
	v20 =	vld.idx.msk [tilespmem:v56+s2+$0x0], $0xffff;
	[tilespmem:s22+$0xFFFFFEF0] =	vst v17  }
0x269: {  	v9 =	vor.u32 $0x3, v9;
	v8 =	vld.idx.msk [tilespmem:v8+s2+$0x0], $0xffff;
	[tilespmem:s23+$0xF0] =	vst v58  }
0x26a: {  	v12 =	vor.u32 $0x3, v12;
	v13 =	vld.idx.msk [tilespmem:v59+s2+$0x0], $0xffff;
	[tilespmem:s23+$0xFFFFFEF0] =	vst v18  }
0x26b: {  	[tilespmem:s19+$0xFFFFFF70] =	vst v60;
	v10 =	vor.u32 $0x3, v10;
	v62 =	vld.idx.msk [tilespmem:v61+s2+$0x0], $0xffff  }
0x26c: {  	v15 =	vld.idx.msk [tilespmem:v15+s2+$0x0], $0xffff;
	[tilespmem:s20+$0xFFFFFF70] =	vst v16;
	v14 =	vor.u32 $0x3, v14  }
0x26d: {  	v11 =	vld.idx.msk [tilespmem:v11+s2+$0x0], $0xffff;
	[tilespmem:s22+$0x170] =	vst v20  }
0x26e: {  	v9 =	vld.idx.msk [tilespmem:v9+s2+$0x0], $0xffff;
	[tilespmem:s22+$0xFFFFFF70] =	vst v8  }
0x26f: {  	v8 =	vld.idx.msk [tilespmem:v12+s2+$0x0], $0xffff;
	[tilespmem:s23+$0x170] =	vst v13  }
0x270: {  	p2 =	sne.s32 s17, $0x0;
	v10 =	vld.idx.msk [tilespmem:v10+s2+$0x0], $0xffff;
	[tilespmem:s23+$0xFFFFFF70] =	vst v62  }
0x271: {  	s18 =	smul.u32 @!p2 $0x320000, s16;
	[tilespmem:s19+$0xFFFFFFF0] =	vst v15;
	v63 =	vld.idx.msk [tilespmem:v14+s2+$0x0], $0xffff  }
0x272: {  	s14 =	sadd.s32 $0x1, s14;
	s16 =	smul.u32 @p1 $0x320000, s16;
	s19 =	sshll.u32 @!p2 s15, $0x9;
	[tilespmem:s20+$0xFFFFFFF0] =	vst v11  }
0x273: {  	s21 =	simm.s32 @!p2 $0x6440;
	s15 =	sshll.u32 @p1 s15, $0x9;
	s18 =	sadd.s32 @!p2 s18, s19;
	[tilespmem:s22+$0x1F0] =	vst v9  }
0x274: {  	s19 =	simm.s32 @!p2 $0x200;
	s15 =	sadd.s32 @p1 s16, s15;
	s16 =	smul.u32 @p1 $0x19000, s17;
	[tilespmem:s22+$0xFFFFFFF0] =	vst v8  }
0x275: {  	s17 =	simm.s32 @p1 $0x200;
	s18 =	sshrl.u32 @!p2 s18, $0x3;
	s15 =	sshrl.u32 @p1 s15, $0x3;
	[tilespmem:s23+$0x1F0] =	vst v10  }
0x276: {  	s18 =	sadd.s32 @!p2 s1, s18;
	s16 =	sshrl.u32 @p1 s16, $0x2;
	s20 =	simm.s32 @!p2 $0x10000;
	[tilespmem:s23+$0xFFFFFFF0] =	vst v63  }
0x277: {  	[hbm4b:s18+s19] =	stream.strided.scatter @!p2 [tilespmem:s21], [sflag:$0x1], $0x6400, s20, s19, $0x38;
	[tilespmem:$0x12C40] =	vst v63  }
0x278: {  	s15 =	sadd.s32 @p1 s1, s15;
	s16 =	sadd.s32 @p1 $0x6440, s16;
	s18 =	simm.s32 @p1 $0x10000  }
0x279: {  	[hbm4b:s15+s17] =	stream.strided.scatter @p1 [tilespmem:s16], [sflag:$0x2], $0x6400, s18, s17, $0x38;
	[tilespmem:$0x12C40] =	vst v63  }
0x27a: {  	p1 =	sne.s32 s14, $0x10  }
.Ltmp1:
0x27b: {  	_ = 	snop;
	(pc) =	sbr.rel @p1 .LBB2_2-.Ltmp1, $2  }
0x27c: {  	_ =	sdelay $0x2  }
0x27d: {  	s13 =	sadd.s32 $0x1, s13;
	p0 =	por !p0, !p0  }
0x27e: {  	s12 =	sadd.s32 $0x1, s12  }
0x27f: {  	_ =	swait.ge [sflag:s9], $0x6400;
	p0 =	sne.s32 s12, s7  }
.Ltmp2:
0x280: {  	[sflag:s9] =	ssyncset.done $0x0;
	(pc) =	sbr.rel @p0 .LBB2_1-.Ltmp2, $4  }
0x281: {  	[sflag:s9] =	ssyncadd.s32 $0xFFFF9C00  }
0x282: {  	_ =	swait.ge [sflag:s11], $0x6400  }
0x283: {  	[sflag:s11] =	ssyncset.done $0x0  }
0x284: {  	[sflag:s11] =	ssyncadd.s32 $0xFFFF9C00  }
0x285: {  	_ =	sfence.sel $0x180000  }
0x286: {  	[bflag:$0x0] =	sbarrier.arrive $0xFFFF  }
0x287: {  	p0 =	sne.s32 s3, $0x0;
	_ =	strace $0x90000047  }
0x288: {  	s0 =	sadd.s32 @!p0 $0x100000, s0;
	[bflag:$0x2] =	sbarrier.arrive $0xFFFF  }
0x289: {  	[sflag:s0] =	ssyncadd.tile.s32 @!p0 $0x1;
	_ =	shalt  }
.Lfunc_end2:
_tile_overlayer_lowered:
.L_overlay_start_2:
0x28a: {  	(tag) =	ssettag $0x2  }
0x28b: {  	s0 =	rddreg [dreg:$0x0];
	s2 =	stileid.u32  }
0x28c: {  	s1 =	rddreg [dreg:$0x1];
	p0 =	sne.s32 s2, $0x0  }
0x28d: {  	s3 =	rddreg [dreg:$0x2];
	[bflag:$0x3] =	sbarrier.arrive $0xFFFF;
	s2 =	simm.s32 @!p0 $0x1C03  }
0x28e: {  	[timem:s3], [sflag:s2] =	dma.local @!p0 [hbm:s0], s1  }
0x28f: {  	s0 =	simm.s32 @!p0 $0x3  }
0x290: {  	_ =	swait.ge @!p0 [sflag:s0], s1  }
0x291: {  	s1 =	ssub.s32 @!p0 $0x0, s1;
	[sflag:s0] =	ssyncset.done @!p0 $0x0  }
0x292: {  	[sflag:s0] =	ssyncadd.s32 @!p0 s1  }
0x293: {  	[bflag:$0x3] =	sbarrier.arrive $0xFFFF  }
0x294: {  	_ =	shalt  }

</sc_bundles>
